<compile_context>
chip_gen: v7x
topology: tpu7x:2x2x1
jax: 0.10.2.dev20260603
libtpu: 0.0.44.dev20260713+nightly
codegen_flags: <defaults>
</compile_context>

<pallas_src>
import functools

import jax
import jax.numpy as jnp
from jax import lax
from jax.experimental import pallas as pl
from jax.experimental.pallas import tpu as pltpu
from jax.experimental.pallas import tpu_sc as plsc

VOCAB = 1000000
PCA = 16
HIDDEN = 128
B = 16384

_info = plsc.get_sparse_core_info()
_NC, _NS = _info.num_cores, _info.num_subcores
NW = _NC * _NS
BPW = B // NW
_W = 128
_NBUF = 16


def _gather_body(x_hbm, c_hbm, h_hbm, outc_hbm, outh_hbm,
                 idx_v, blkc_v, blkh_v, kvc_v, kvh_v, sem):
    wid = lax.axis_index("s") * _NC + lax.axis_index("c")
    base = wid * BPW
    pltpu.sync_copy(x_hbm.at[pl.ds(base, BPW)], idx_v)
    lanes = lax.iota(jnp.int32, 16)

    def group(g, carry):
        xvec = idx_v[pl.ds(g * _NBUF, _NBUF)]
        xs, copies = [], []
        for j in range(_NBUF):
            xj = xvec[j]
            off = pl.multiple_of(jnp.bitwise_and(xj, -_W), _W)
            xs.append(xj)
            copies.append(pltpu.async_copy(
                c_hbm.at[:, pl.ds(off, _W)], blkc_v.at[j], sem))
            copies.append(pltpu.async_copy(
                h_hbm.at[:, pl.ds(off, _W)], blkh_v.at[j], sem))
        for cp in copies:
            cp.wait()
        for j in range(_NBUF):
            i = g * _NBUF + j
            iv = jnp.full((16,), i, jnp.int32)
            jv = jnp.full((16,), j, jnp.int32)
            cv = jnp.full((16,), jnp.bitwise_and(xs[j], _W - 1), jnp.int32)
            plsc.store_scatter(
                kvc_v, [lanes, iv], plsc.load_gather(blkc_v, [jv, lanes, cv]))
            plsc.store_scatter(
                kvh_v, [lanes, iv], plsc.load_gather(blkh_v, [jv, lanes, cv]))
        return carry

    lax.fori_loop(0, BPW // _NBUF, group, 0)
    pltpu.sync_copy(kvc_v, outc_hbm.at[:, pl.ds(base, BPW)])
    pltpu.sync_copy(kvh_v, outh_hbm.at[:, pl.ds(base, BPW)])


_sc_gather = functools.partial(
    pl.kernel,
    mesh=plsc.VectorSubcoreMesh(core_axis_name="c", subcore_axis_name="s"),
    out_type=[jax.ShapeDtypeStruct((PCA, B), jnp.float32),
              jax.ShapeDtypeStruct((PCA, B), jnp.float32)],
    scratch_types=[
        pltpu.VMEM((BPW,), jnp.int32),
        pltpu.VMEM((_NBUF, PCA, _W), jnp.float32),
        pltpu.VMEM((_NBUF, PCA, _W), jnp.float32),
        pltpu.VMEM((PCA, BPW), jnp.float32),
        pltpu.VMEM((PCA, BPW), jnp.float32),
        pltpu.SemaphoreType.DMA,
    ],
    compiler_params=pltpu.CompilerParams(needs_layout_passes=False),
)(_gather_body)


_BB = 8192


def _proj_body(ec_ref, eh_ref, wc_ref, wh_ref, bc_ref, bh_ref,
               oc_ref, oh_ref):
    dn = (((0,), (0,)), ((), ()))
    oc_ref[...] = (
        lax.dot_general(ec_ref[...], wc_ref[...], dn,
                        preferred_element_type=jnp.float32)
        + bc_ref[...])
    oh_ref[...] = (
        lax.dot_general(eh_ref[...], wh_ref[...], dn,
                        preferred_element_type=jnp.float32)
        + bh_ref[...])


def _project(emb_c, emb_h, Wct, Wht, bc2, bh2):
    grid = B // _BB
    return pl.pallas_call(
        _proj_body,
        grid=(grid,),
        in_specs=[
            pl.BlockSpec((PCA, _BB), lambda i: (0, i)),
            pl.BlockSpec((PCA, _BB), lambda i: (0, i)),
            pl.BlockSpec((PCA, HIDDEN), lambda i: (0, 0)),
            pl.BlockSpec((PCA, HIDDEN), lambda i: (0, 0)),
            pl.BlockSpec((1, HIDDEN), lambda i: (0, 0)),
            pl.BlockSpec((1, HIDDEN), lambda i: (0, 0)),
        ],
        out_specs=[
            pl.BlockSpec((_BB, HIDDEN), lambda i: (i, 0)),
            pl.BlockSpec((_BB, HIDDEN), lambda i: (i, 0)),
        ],
        out_shape=[
            jax.ShapeDtypeStruct((B, HIDDEN), jnp.float32),
            jax.ShapeDtypeStruct((B, HIDDEN), jnp.float32),
        ],
    )(emb_c, emb_h, Wct, Wht, bc2, bh2)


def kernel(x, c_table, h_table, Wc, bc, Wh, bh):
    xi = x.astype(jnp.int32)
    ec_kv, eh_kv = _sc_gather(xi, c_table.T, h_table.T)
    oc, oh = _project(ec_kv, eh_kv, Wc.T, Wh.T,
                      bc.reshape(1, HIDDEN), bh.reshape(1, HIDDEN))
    return (oc.reshape(1, B, HIDDEN), oh.reshape(1, B, HIDDEN))

# --- scband reference (transcript-rebuilt; emitter-appended) ---
"""Pipeline reference for scband-word2-vec-context-15917148799605 (READ-ONLY COPY).

The authoritative reference and input builder live on the scoring server;
editing this copy changes nothing except your own understanding.
"""

import jax, jax.numpy as jnp
import numpy as np

VOCAB = 1000000
PCA = 16
HIDDEN = 128
NLAYERS = 1
B = 16384


def setup_inputs(seed: int = 0) -> dict:
    key = jax.random.key(seed)
    k1, k2, k3, k4, k5 = jax.random.split(key, 5)
    x = jax.random.randint(k1, (B,), 0, VOCAB)
    # frozen word2vec-PCA embedding tables (requires_grad=False in torch)
    c_table = jax.random.normal(k2, (VOCAB, PCA), dtype=jnp.float32) * 0.02
    h_table = jax.random.normal(k3, (VOCAB, PCA), dtype=jnp.float32) * 0.02
    # trainable linear projections pca_size -> hidden_size * nlayers
    lim = 1.0 / np.sqrt(PCA)
    Wc = jax.random.uniform(k4, (HIDDEN * NLAYERS, PCA), dtype=jnp.float32, minval=-lim, maxval=lim)
    bc = jnp.zeros((HIDDEN * NLAYERS,), dtype=jnp.float32)
    Wh = jax.random.uniform(k5, (HIDDEN * NLAYERS, PCA), dtype=jnp.float32, minval=-lim, maxval=lim)
    bh = jnp.zeros((HIDDEN * NLAYERS,), dtype=jnp.float32)
    return {"x": x, "c_table": c_table, "h_table": h_table, "Wc": Wc, "bc": bc, "Wh": Wh, "bh": bh}


def reference(x, c_table, h_table, Wc, bc, Wh, bh):
    # dropout acts as identity in eval mode
    bsz = x.shape[0]
    x_c_emb = jnp.take(c_table, x, axis=0)                    # [B, PCA] gather
    x_c_emb = (x_c_emb @ Wc.T + bc).reshape(bsz, NLAYERS, -1)  # [B, nlayers, H]
    x_c_emb = jnp.transpose(x_c_emb, (1, 0, 2))                # [nlayers, B, H]
    x_h_emb = jnp.take(h_table, x, axis=0)
    x_h_emb = (x_h_emb @ Wh.T + bh).reshape(bsz, NLAYERS, -1)
    x_h_emb = jnp.transpose(x_h_emb, (1, 0, 2))
    return (x_c_emb, x_h_emb)

if __name__ == "__main__":
    import jax
    _d = setup_inputs()
    print(jax.jit(kernel)(*tuple(_d.values())))

</pallas_src>

<mosaic_0001>
#map = affine_map<(d0, d1) -> (0)>
#map1 = affine_map<(d0, d1) -> (0, 0)>
module attributes {stable_mosaic.version = 14 : i64} {
  func.func @_gather_body(%arg0: i32, %arg1: i32, %arg2: memref<16384xi32, #tpu.memory_space<hbm>>, %arg3: memref<16x1000000xf32, #tpu.memory_space<hbm>>, %arg4: memref<16x1000000xf32, #tpu.memory_space<hbm>>, %arg5: memref<16x16384xf32, #tpu.memory_space<hbm>>, %arg6: memref<16x16384xf32, #tpu.memory_space<hbm>>, %arg7: memref<512xi32, #tpu.memory_space<vmem>>, %arg8: memref<16x16x128xf32, #tpu.memory_space<vmem>>, %arg9: memref<16x16x128xf32, #tpu.memory_space<vmem>>, %arg10: memref<16x512xf32, #tpu.memory_space<vmem>>, %arg11: memref<16x512xf32, #tpu.memory_space<vmem>>, %arg12: memref<!tpu.dma_semaphore, #tpu.memory_space<semaphore_mem>>) attributes {dimension_semantics = [#tpu.dimension_semantics<core_parallel>, #tpu.dimension_semantics<subcore_parallel>], iteration_bounds = array<i64: 2, 16>, scalar_prefetch = 0 : i64, scratch_operands = 6 : i64, tpu.core_type = #tpu.core_type<sc_vector_subcore>, window_params = [{transform_indices = #map}, {transform_indices = #map1}, {transform_indices = #map1}, {transform_indices = #map1}, {transform_indices = #map1}]} {
    %mul3A = arith.constant 2 : i32
    %mul3A_0 = arith.muli %arg1, %mul3A : i32
    %add3A = arith.addi %mul3A_0, %arg0 : i32
    %mul3A_1 = arith.constant 512 : i32
    %mul3A_2 = arith.muli %add3A, %mul3A_1 : i32
    "tpu.region"() ({
      %run_scoped3A = tpu.sem_alloc : memref<!tpu.dma_semaphore, #tpu.memory_space<semaphore_mem>>
      %dma_start3A = tpu.memref_slice %arg2[%mul3A_2] : memref<16384xi32, #tpu.memory_space<hbm>> -> memref<512xi32, #tpu.memory_space<hbm>>
      %dma_start3A_8 = tpu.memref_slice %arg2[%mul3A_2] : memref<16384xi32, #tpu.memory_space<hbm>> -> memref<512xi32, #tpu.memory_space<hbm>>
      tpu.enqueue_dma source(%dma_start3A_8 : memref<512xi32, #tpu.memory_space<hbm>>) target(%arg7 : memref<512xi32, #tpu.memory_space<vmem>>) target_semaphore(%run_scoped3A : memref<!tpu.dma_semaphore, #tpu.memory_space<semaphore_mem>>)
      %dma_wait3A = tpu.memref_slice %arg2[%mul3A_2] : memref<16384xi32, #tpu.memory_space<hbm>> -> memref<512xi32, #tpu.memory_space<hbm>>
      %dma_wait3A_9 = tpu.memref_slice %arg2[%mul3A_2] : memref<16384xi32, #tpu.memory_space<hbm>> -> memref<512xi32, #tpu.memory_space<hbm>>
      tpu.wait_dma2 semaphore(%run_scoped3A : memref<!tpu.dma_semaphore, #tpu.memory_space<semaphore_mem>>) src(%dma_wait3A_9 : memref<512xi32, #tpu.memory_space<hbm>>) dst(%arg7 : memref<512xi32, #tpu.memory_space<vmem>>)
      tpu.yield
    }) : () -> ()
    %iota3A = tpu.iota {dimensions = array<i32: 0>} : vector<16xi32>
    %scan3A = arith.constant 0 : i32
    %scan3A_3 = arith.constant 0 : i32
    %scan3A_4 = arith.constant 32 : i32
    %scan3A_5 = arith.addi %scan3A_3, %scan3A_4 : i32
    %scan3A_6 = arith.constant 1 : i32
    scf.for %scan3A_8 = %scan3A_3 to %scan3A_5 step %scan3A_6  : i32 {
      %mul3A_9 = arith.constant 16 : i32
      %mul3A_10 = arith.muli %scan3A_8, %mul3A_9 : i32
      %get3A = arith.index_cast %mul3A_10 : i32 to index
      %get3A_11 = tpu.vector_load %arg7[%get3A] {strides = array<i32>} : memref<512xi32, #tpu.memory_space<vmem>>, vector<16xi32>,
      %slice3A = vector.extract_strided_slice %get3A_11 {offsets = [0], sizes = [1], strides = [1]} : vector<16xi32> to vector<1xi32>
      %squeeze3A = vector.extract %slice3A[0] : i32 from vector<1xi32>
      %and3A = arith.constant -128 : i32
      %and3A_12 = arith.andi %squeeze3A, %and3A : i32
      %multiple_of3A = tpu.assume_multiple %and3A_12, 128 : i32
      %dma_start3A = arith.constant 0 : i32
      %dma_start3A_13 = arith.constant 0 : i32
      %dma_start3A_14 = arith.constant 0 : i32
      %dma_start3A_15 = tpu.memref_slice %arg8[%dma_start3A, %dma_start3A_13, %dma_start3A_14] : memref<16x16x128xf32, #tpu.memory_space<vmem>> -> memref<1x16x128xf32, #tpu.memory_space<vmem>>
      %dma_start3A_16 = tpu.memref_squeeze %dma_start3A_15 : memref<1x16x128xf32, #tpu.memory_space<vmem>> -> memref<16x128xf32, #tpu.memory_space<vmem>>
      %dma_start3A_17 = arith.constant 0 : i32
      %dma_start3A_18 = tpu.memref_slice %arg3[%dma_start3A_17, %multiple_of3A] : memref<16x1000000xf32, #tpu.memory_space<hbm>> -> memref<16x128xf32, #tpu.memory_space<hbm>>
      %dma_start3A_19 = arith.constant 0 : i32
      %dma_start3A_20 = arith.constant 0 : i32
      %dma_start3A_21 = tpu.memref_slice %arg8[%dma_start3A, %dma_start3A_19, %dma_start3A_20] : memref<16x16x128xf32, #tpu.memory_space<vmem>> -> memref<1x16x128xf32, #tpu.memory_space<vmem>>
      %dma_start3A_22 = tpu.memref_squeeze %dma_start3A_21 : memref<1x16x128xf32, #tpu.memory_space<vmem>> -> memref<16x128xf32, #tpu.memory_space<vmem>>
      %dma_start3A_23 = arith.constant 0 : i32
      %dma_start3A_24 = tpu.memref_slice %arg3[%dma_start3A_23, %multiple_of3A] : memref<16x1000000xf32, #tpu.memory_space<hbm>> -> memref<16x128xf32, #tpu.memory_space<hbm>>
      tpu.enqueue_dma source(%dma_start3A_24 : memref<16x128xf32, #tpu.memory_space<hbm>>) target(%dma_start3A_22 : memref<16x128xf32, #tpu.memory_space<vmem>>) target_semaphore(%arg12 : memref<!tpu.dma_semaphore, #tpu.memory_space<semaphore_mem>>)
      %dma_start3A_25 = arith.constant 0 : i32
      %dma_start3A_26 = arith.constant 0 : i32
      %dma_start3A_27 = arith.constant 0 : i32
      %dma_start3A_28 = tpu.memref_slice %arg9[%dma_start3A_25, %dma_start3A_26, %dma_start3A_27] : memref<16x16x128xf32, #tpu.memory_space<vmem>> -> memref<1x16x128xf32, #tpu.memory_space<vmem>>
      %dma_start3A_29 = tpu.memref_squeeze %dma_start3A_28 : memref<1x16x128xf32, #tpu.memory_space<vmem>> -> memref<16x128xf32, #tpu.memory_space<vmem>>
      %dma_start3A_30 = arith.constant 0 : i32
      %dma_start3A_31 = tpu.memref_slice %arg4[%dma_start3A_30, %multiple_of3A] : memref<16x1000000xf32, #tpu.memory_space<hbm>> -> memref<16x128xf32, #tpu.memory_space<hbm>>
      %dma_start3A_32 = arith.constant 0 : i32
      %dma_start3A_33 = arith.constant 0 : i32
      %dma_start3A_34 = tpu.memref_slice %arg9[%dma_start3A_25, %dma_start3A_32, %dma_start3A_33] : memref<16x16x128xf32, #tpu.memory_space<vmem>> -> memref<1x16x128xf32, #tpu.memory_space<vmem>>
      %dma_start3A_35 = tpu.memref_squeeze %dma_start3A_34 : memref<1x16x128xf32, #tpu.memory_space<vmem>> -> memref<16x128xf32, #tpu.memory_space<vmem>>
      %dma_start3A_36 = arith.constant 0 : i32
      %dma_start3A_37 = tpu.memref_slice %arg4[%dma_start3A_36, %multiple_of3A] : memref<16x1000000xf32, #tpu.memory_space<hbm>> -> memref<16x128xf32, #tpu.memory_space<hbm>>
      tpu.enqueue_dma source(%dma_start3A_37 : memref<16x128xf32, #tpu.memory_space<hbm>>) target(%dma_start3A_35 : memref<16x128xf32, #tpu.memory_space<vmem>>) target_semaphore(%arg12 : memref<!tpu.dma_semaphore, #tpu.memory_space<semaphore_mem>>)
      %slice3A_38 = vector.extract_strided_slice %get3A_11 {offsets = [1], sizes = [1], strides = [1]} : vector<16xi32> to vector<1xi32>
      %squeeze3A_39 = vector.extract %slice3A_38[0] : i32 from vector<1xi32>
      %and3A_40 = arith.constant -128 : i32
      %and3A_41 = arith.andi %squeeze3A_39, %and3A_40 : i32
      %multiple_of3A_42 = tpu.assume_multiple %and3A_41, 128 : i32
      %dma_start3A_43 = arith.constant 1 : i32
      %dma_start3A_44 = arith.constant 0 : i32
      %dma_start3A_45 = arith.constant 0 : i32
      %dma_start3A_46 = tpu.memref_slice %arg8[%dma_start3A_43, %dma_start3A_44, %dma_start3A_45] : memref<16x16x128xf32, #tpu.memory_space<vmem>> -> memref<1x16x128xf32, #tpu.memory_space<vmem>>
      %dma_start3A_47 = tpu.memref_squeeze %dma_start3A_46 : memref<1x16x128xf32, #tpu.memory_space<vmem>> -> memref<16x128xf32, #tpu.memory_space<vmem>>
      %dma_start3A_48 = arith.constant 0 : i32
      %dma_start3A_49 = tpu.memref_slice %arg3[%dma_start3A_48, %multiple_of3A_42] : memref<16x1000000xf32, #tpu.memory_space<hbm>> -> memref<16x128xf32, #tpu.memory_space<hbm>>
      %dma_start3A_50 = arith.constant 0 : i32
      %dma_start3A_51 = arith.constant 0 : i32
      %dma_start3A_52 = tpu.memref_slice %arg8[%dma_start3A_43, %dma_start3A_50, %dma_start3A_51] : memref<16x16x128xf32, #tpu.memory_space<vmem>> -> memref<1x16x128xf32, #tpu.memory_space<vmem>>
      %dma_start3A_53 = tpu.memref_squeeze %dma_start3A_52 : memref<1x16x128xf32, #tpu.memory_space<vmem>> -> memref<16x128xf32, #tpu.memory_space<vmem>>
      %dma_start3A_54 = arith.constant 0 : i32
      %dma_start3A_55 = tpu.memref_slice %arg3[%dma_start3A_54, %multiple_of3A_42] : memref<16x1000000xf32, #tpu.memory_space<hbm>> -> memref<16x128xf32, #tpu.memory_space<hbm>>
      tpu.enqueue_dma source(%dma_start3A_55 : memref<16x128xf32, #tpu.memory_space<hbm>>) target(%dma_start3A_53 : memref<16x128xf32, #tpu.memory_space<vmem>>) target_semaphore(%arg12 : memref<!tpu.dma_semaphore, #tpu.memory_space<semaphore_mem>>)
      %dma_start3A_56 = arith.constant 1 : i32
      %dma_start3A_57 = arith.constant 0 : i32
      %dma_start3A_58 = arith.constant 0 : i32
      %dma_start3A_59 = tpu.memref_slice %arg9[%dma_start3A_56, %dma_start3A_57, %dma_start3A_58] : memref<16x16x128xf32, #tpu.memory_space<vmem>> -> memref<1x16x128xf32, #tpu.memory_space<vmem>>
      %dma_start3A_60 = tpu.memref_squeeze %dma_start3A_59 : memref<1x16x128xf32, #tpu.memory_space<vmem>> -> memref<16x128xf32, #tpu.memory_space<vmem>>
      %dma_start3A_61 = arith.constant 0 : i32
      %dma_start3A_62 = tpu.memref_slice %arg4[%dma_start3A_61, %multiple_of3A_42] : memref<16x1000000xf32, #tpu.memory_space<hbm>> -> memref<16x128xf32, #tpu.memory_space<hbm>>
      %dma_start3A_63 = arith.constant 0 : i32
      %dma_start3A_64 = arith.constant 0 : i32
      %dma_start3A_65 = tpu.memref_slice %arg9[%dma_start3A_56, %dma_start3A_63, %dma_start3A_64] : memref<16x16x128xf32, #tpu.memory_space<vmem>> -> memref<1x16x128xf32, #tpu.memory_space<vmem>>
      %dma_start3A_66 = tpu.memref_squeeze %dma_start3A_65 : memref<1x16x128xf32, #tpu.memory_space<vmem>> -> memref<16x128xf32, #tpu.memory_space<vmem>>
      %dma_start3A_67 = arith.constant 0 : i32
      %dma_start3A_68 = tpu.memref_slice %arg4[%dma_start3A_67, %multiple_of3A_42] : memref<16x1000000xf32, #tpu.memory_space<hbm>> -> memref<16x128xf32, #tpu.memory_space<hbm>>
      tpu.enqueue_dma source(%dma_start3A_68 : memref<16x128xf32, #tpu.memory_space<hbm>>) target(%dma_start3A_66 : memref<16x128xf32, #tpu.memory_space<vmem>>) target_semaphore(%arg12 : memref<!tpu.dma_semaphore, #tpu.memory_space<semaphore_mem>>)
      %slice3A_69 = vector.extract_strided_slice %get3A_11 {offsets = [2], sizes = [1], strides = [1]} : vector<16xi32> to vector<1xi32>
      %squeeze3A_70 = vector.extract %slice3A_69[0] : i32 from vector<1xi32>
      %and3A_71 = arith.constant -128 : i32
      %and3A_72 = arith.andi %squeeze3A_70, %and3A_71 : i32
      %multiple_of3A_73 = tpu.assume_multiple %and3A_72, 128 : i32
      %dma_start3A_74 = arith.constant 2 : i32
      %dma_start3A_75 = arith.constant 0 : i32
      %dma_start3A_76 = arith.constant 0 : i32
      %dma_start3A_77 = tpu.memref_slice %arg8[%dma_start3A_74, %dma_start3A_75, %dma_start3A_76] : memref<16x16x128xf32, #tpu.memory_space<vmem>> -> memref<1x16x128xf32, #tpu.memory_space<vmem>>
      %dma_start3A_78 = tpu.memref_squeeze %dma_start3A_77 : memref<1x16x128xf32, #tpu.memory_space<vmem>> -> memref<16x128xf32, #tpu.memory_space<vmem>>
      %dma_start3A_79 = arith.constant 0 : i32
      %dma_start3A_80 = tpu.memref_slice %arg3[%dma_start3A_79, %multiple_of3A_73] : memref<16x1000000xf32, #tpu.memory_space<hbm>> -> memref<16x128xf32, #tpu.memory_space<hbm>>
      %dma_start3A_81 = arith.constant 0 : i32
      %dma_start3A_82 = arith.constant 0 : i32
      %dma_start3A_83 = tpu.memref_slice %arg8[%dma_start3A_74, %dma_start3A_81, %dma_start3A_82] : memref<16x16x128xf32, #tpu.memory_space<vmem>> -> memref<1x16x128xf32, #tpu.memory_space<vmem>>
      %dma_start3A_84 = tpu.memref_squeeze %dma_start3A_83 : memref<1x16x128xf32, #tpu.memory_space<vmem>> -> memref<16x128xf32, #tpu.memory_space<vmem>>
      %dma_start3A_85 = arith.constant 0 : i32
      %dma_start3A_86 = tpu.memref_slice %arg3[%dma_start3A_85, %multiple_of3A_73] : memref<16x1000000xf32, #tpu.memory_space<hbm>> -> memref<16x128xf32, #tpu.memory_space<hbm>>
      tpu.enqueue_dma source(%dma_start3A_86 : memref<16x128xf32, #tpu.memory_space<hbm>>) target(%dma_start3A_84 : memref<16x128xf32, #tpu.memory_space<vmem>>) target_semaphore(%arg12 : memref<!tpu.dma_semaphore, #tpu.memory_space<semaphore_mem>>)
      %dma_start3A_87 = arith.constant 2 : i32
      %dma_start3A_88 = arith.constant 0 : i32
      %dma_start3A_89 = arith.constant 0 : i32
      %dma_start3A_90 = tpu.memref_slice %arg9[%dma_start3A_87, %dma_start3A_88, %dma_start3A_89] : memref<16x16x128xf32, #tpu.memory_space<vmem>> -> memref<1x16x128xf32, #tpu.memory_space<vmem>>
      %dma_start3A_91 = tpu.memref_squeeze %dma_start3A_90 : memref<1x16x128xf32, #tpu.memory_space<vmem>> -> memref<16x128xf32, #tpu.memory_space<vmem>>
      %dma_start3A_92 = arith.constant 0 : i32
      %dma_start3A_93 = tpu.memref_slice %arg4[%dma_start3A_92, %multiple_of3A_73] : memref<16x1000000xf32, #tpu.memory_space<hbm>> -> memref<16x128xf32, #tpu.memory_space<hbm>>
      %dma_start3A_94 = arith.constant 0 : i32
      %dma_start3A_95 = arith.constant 0 : i32
      %dma_start3A_96 = tpu.memref_slice %arg9[%dma_start3A_87, %dma_start3A_94, %dma_start3A_95] : memref<16x16x128xf32, #tpu.memory_space<vmem>> -> memref<1x16x128xf32, #tpu.memory_space<vmem>>
      %dma_start3A_97 = tpu.memref_squeeze %dma_start3A_96 : memref<1x16x128xf32, #tpu.memory_space<vmem>> -> memref<16x128xf32, #tpu.memory_space<vmem>>
      %dma_start3A_98 = arith.constant 0 : i32
      %dma_start3A_99 = tpu.memref_slice %arg4[%dma_start3A_98, %multiple_of3A_73] : memref<16x1000000xf32, #tpu.memory_space<hbm>> -> memref<16x128xf32, #tpu.memory_space<hbm>>
      tpu.enqueue_dma source(%dma_start3A_99 : memref<16x128xf32, #tpu.memory_space<hbm>>) target(%dma_start3A_97 : memref<16x128xf32, #tpu.memory_space<vmem>>) target_semaphore(%arg12 : memref<!tpu.dma_semaphore, #tpu.memory_space<semaphore_mem>>)
      %slice3A_100 = vector.extract_strided_slice %get3A_11 {offsets = [3], sizes = [1], strides = [1]} : vector<16xi32> to vector<1xi32>
      %squeeze3A_101 = vector.extract %slice3A_100[0] : i32 from vector<1xi32>
      %and3A_102 = arith.constant -128 : i32
      %and3A_103 = arith.andi %squeeze3A_101, %and3A_102 : i32
      %multiple_of3A_104 = tpu.assume_multiple %and3A_103, 128 : i32
      %dma_start3A_105 = arith.constant 3 : i32
      %dma_start3A_106 = arith.constant 0 : i32
      %dma_start3A_107 = arith.constant 0 : i32
      %dma_start3A_108 = tpu.memref_slice %arg8[%dma_start3A_105, %dma_start3A_106, %dma_start3A_107] : memref<16x16x128xf32, #tpu.memory_space<vmem>> -> memref<1x16x128xf32, #tpu.memory_space<vmem>>
      %dma_start3A_109 = tpu.memref_squeeze %dma_start3A_108 : memref<1x16x128xf32, #tpu.memory_space<vmem>> -> memref<16x128xf32, #tpu.memory_space<vmem>>
      %dma_start3A_110 = arith.constant 0 : i32
      %dma_start3A_111 = tpu.memref_slice %arg3[%dma_start3A_110, %multiple_of3A_104] : memref<16x1000000xf32, #tpu.memory_space<hbm>> -> memref<16x128xf32, #tpu.memory_space<hbm>>
      %dma_start3A_112 = arith.constant 0 : i32
      %dma_start3A_113 = arith.constant 0 : i32
      %dma_start3A_114 = tpu.memref_slice %arg8[%dma_start3A_105, %dma_start3A_112, %dma_start3A_113] : memref<16x16x128xf32, #tpu.memory_space<vmem>> -> memref<1x16x128xf32, #tpu.memory_space<vmem>>
      %dma_start3A_115 = tpu.memref_squeeze %dma_start3A_114 : memref<1x16x128xf32, #tpu.memory_space<vmem>> -> memref<16x128xf32, #tpu.memory_space<vmem>>
      %dma_start3A_116 = arith.constant 0 : i32
      %dma_start3A_117 = tpu.memref_slice %arg3[%dma_start3A_116, %multiple_of3A_104] : memref<16x1000000xf32, #tpu.memory_space<hbm>> -> memref<16x128xf32, #tpu.memory_space<hbm>>
      tpu.enqueue_dma source(%dma_start3A_117 : memref<16x128xf32, #tpu.memory_space<hbm>>) target(%dma_start3A_115 : memref<16x128xf32, #tpu.memory_space<vmem>>) target_semaphore(%arg12 : memref<!tpu.dma_semaphore, #tpu.memory_space<semaphore_mem>>)
      %dma_start3A_118 = arith.constant 3 : i32
      %dma_start3A_119 = arith.constant 0 : i32
      %dma_start3A_120 = arith.constant 0 : i32
      %dma_start3A_121 = tpu.memref_slice %arg9[%dma_start3A_118, %dma_start3A_119, %dma_start3A_120] : memref<16x16x128xf32, #tpu.memory_space<vmem>> -> memref<1x16x128xf32, #tpu.memory_space<vmem>>
      %dma_start3A_122 = tpu.memref_squeeze %dma_start3A_121 : memref<1x16x128xf32, #tpu.memory_space<vmem>> -> memref<16x128xf32, #tpu.memory_space<vmem>>
      %dma_start3A_123 = arith.constant 0 : i32
      %dma_start3A_124 = tpu.memref_slice %arg4[%dma_start3A_123, %multiple_of3A_104] : memref<16x1000000xf32, #tpu.memory_space<hbm>> -> memref<16x128xf32, #tpu.memory_space<hbm>>
      %dma_start3A_125 = arith.constant 0 : i32
      %dma_start3A_126 = arith.constant 0 : i32
      %dma_start3A_127 = tpu.memref_slice %arg9[%dma_start3A_118, %dma_start3A_125, %dma_start3A_126] : memref<16x16x128xf32, #tpu.memory_space<vmem>> -> memref<1x16x128xf32, #tpu.memory_space<vmem>>
      %dma_start3A_128 = tpu.memref_squeeze %dma_start3A_127 : memref<1x16x128xf32, #tpu.memory_space<vmem>> -> memref<16x128xf32, #tpu.memory_space<vmem>>
      %dma_start3A_129 = arith.constant 0 : i32
      %dma_start3A_130 = tpu.memref_slice %arg4[%dma_start3A_129, %multiple_of3A_104] : memref<16x1000000xf32, #tpu.memory_space<hbm>> -> memref<16x128xf32, #tpu.memory_space<hbm>>
      tpu.enqueue_dma source(%dma_start3A_130 : memref<16x128xf32, #tpu.memory_space<hbm>>) target(%dma_start3A_128 : memref<16x128xf32, #tpu.memory_space<vmem>>) target_semaphore(%arg12 : memref<!tpu.dma_semaphore, #tpu.memory_space<semaphore_mem>>)
      %slice3A_131 = vector.extract_strided_slice %get3A_11 {offsets = [4], sizes = [1], strides = [1]} : vector<16xi32> to vector<1xi32>
      %squeeze3A_132 = vector.extract %slice3A_131[0] : i32 from vector<1xi32>
      %and3A_133 = arith.constant -128 : i32
      %and3A_134 = arith.andi %squeeze3A_132, %and3A_133 : i32
      %multiple_of3A_135 = tpu.assume_multiple %and3A_134, 128 : i32
      %dma_start3A_136 = arith.constant 4 : i32
      %dma_start3A_137 = arith.constant 0 : i32
      %dma_start3A_138 = arith.constant 0 : i32
      %dma_start3A_139 = tpu.memref_slice %arg8[%dma_start3A_136, %dma_start3A_137, %dma_start3A_138] : memref<16x16x128xf32, #tpu.memory_space<vmem>> -> memref<1x16x128xf32, #tpu.memory_space<vmem>>
      %dma_start3A_140 = tpu.memref_squeeze %dma_start3A_139 : memref<1x16x128xf32, #tpu.memory_space<vmem>> -> memref<16x128xf32, #tpu.memory_space<vmem>>
      %dma_start3A_141 = arith.constant 0 : i32
      %dma_start3A_142 = tpu.memref_slice %arg3[%dma_start3A_141, %multiple_of3A_135] : memref<16x1000000xf32, #tpu.memory_space<hbm>> -> memref<16x128xf32, #tpu.memory_space<hbm>>
      %dma_start3A_143 = arith.constant 0 : i32
      %dma_start3A_144 = arith.constant 0 : i32
      %dma_start3A_145 = tpu.memref_slice %arg8[%dma_start3A_136, %dma_start3A_143, %dma_start3A_144] : memref<16x16x128xf32, #tpu.memory_space<vmem>> -> memref<1x16x128xf32, #tpu.memory_space<vmem>>
      %dma_start3A_146 = tpu.memref_squeeze %dma_start3A_145 : memref<1x16x128xf32, #tpu.memory_space<vmem>> -> memref<16x128xf32, #tpu.memory_space<vmem>>
      %dma_start3A_147 = arith.constant 0 : i32
      %dma_start3A_148 = tpu.memref_slice %arg3[%dma_start3A_147, %multiple_of3A_135] : memref<16x1000000xf32, #tpu.memory_space<hbm>> -> memref<16x128xf32, #tpu.memory_space<hbm>>
      tpu.enqueue_dma source(%dma_start3A_148 : memref<16x128xf32, #tpu.memory_space<hbm>>) target(%dma_start3A_146 : memref<16x128xf32, #tpu.memory_space<vmem>>) target_semaphore(%arg12 : memref<!tpu.dma_semaphore, #tpu.memory_space<semaphore_mem>>)
      %dma_start3A_149 = arith.constant 4 : i32
      %dma_start3A_150 = arith.constant 0 : i32
      %dma_start3A_151 = arith.constant 0 : i32
      %dma_start3A_152 = tpu.memref_slice %arg9[%dma_start3A_149, %dma_start3A_150, %dma_start3A_151] : memref<16x16x128xf32, #tpu.memory_space<vmem>> -> memref<1x16x128xf32, #tpu.memory_space<vmem>>
      %dma_start3A_153 = tpu.memref_squeeze %dma_start3A_152 : memref<1x16x128xf32, #tpu.memory_space<vmem>> -> memref<16x128xf32, #tpu.memory_space<vmem>>
      %dma_start3A_154 = arith.constant 0 : i32
      %dma_start3A_155 = tpu.memref_slice %arg4[%dma_start3A_154, %multiple_of3A_135] : memref<16x1000000xf32, #tpu.memory_space<hbm>> -> memref<16x128xf32, #tpu.memory_space<hbm>>
      %dma_start3A_156 = arith.constant 0 : i32
      %dma_start3A_157 = arith.constant 0 : i32
      %dma_start3A_158 = tpu.memref_slice %arg9[%dma_start3A_149, %dma_start3A_156, %dma_start3A_157] : memref<16x16x128xf32, #tpu.memory_space<vmem>> -> memref<1x16x128xf32, #tpu.memory_space<vmem>>
      %dma_start3A_159 = tpu.memref_squeeze %dma_start3A_158 : memref<1x16x128xf32, #tpu.memory_space<vmem>> -> memref<16x128xf32, #tpu.memory_space<vmem>>
      %dma_start3A_160 = arith.constant 0 : i32
      %dma_start3A_161 = tpu.memref_slice %arg4[%dma_start3A_160, %multiple_of3A_135] : memref<16x1000000xf32, #tpu.memory_space<hbm>> -> memref<16x128xf32, #tpu.memory_space<hbm>>
      tpu.enqueue_dma source(%dma_start3A_161 : memref<16x128xf32, #tpu.memory_space<hbm>>) target(%dma_start3A_159 : memref<16x128xf32, #tpu.memory_space<vmem>>) target_semaphore(%arg12 : memref<!tpu.dma_semaphore, #tpu.memory_space<semaphore_mem>>)
      %slice3A_162 = vector.extract_strided_slice %get3A_11 {offsets = [5], sizes = [1], strides = [1]} : vector<16xi32> to vector<1xi32>
      %squeeze3A_163 = vector.extract %slice3A_162[0] : i32 from vector<1xi32>
      %and3A_164 = arith.constant -128 : i32
      %and3A_165 = arith.andi %squeeze3A_163, %and3A_164 : i32
      %multiple_of3A_166 = tpu.assume_multiple %and3A_165, 128 : i32
      %dma_start3A_167 = arith.constant 5 : i32
      %dma_start3A_168 = arith.constant 0 : i32
      %dma_start3A_169 = arith.constant 0 : i32
      %dma_start3A_170 = tpu.memref_slice %arg8[%dma_start3A_167, %dma_start3A_168, %dma_start3A_169] : memref<16x16x128xf32, #tpu.memory_space<vmem>> -> memref<1x16x128xf32, #tpu.memory_space<vmem>>
      %dma_start3A_171 = tpu.memref_squeeze %dma_start3A_170 : memref<1x16x128xf32, #tpu.memory_space<vmem>> -> memref<16x128xf32, #tpu.memory_space<vmem>>
      %dma_start3A_172 = arith.constant 0 : i32
      %dma_start3A_173 = tpu.memref_slice %arg3[%dma_start3A_172, %multiple_of3A_166] : memref<16x1000000xf32, #tpu.memory_space<hbm>> -> memref<16x128xf32, #tpu.memory_space<hbm>>
      %dma_start3A_174 = arith.constant 0 : i32
      %dma_start3A_175 = arith.constant 0 : i32
      %dma_start3A_176 = tpu.memref_slice %arg8[%dma_start3A_167, %dma_start3A_174, %dma_start3A_175] : memref<16x16x128xf32, #tpu.memory_space<vmem>> -> memref<1x16x128xf32, #tpu.memory_space<vmem>>
      %dma_start3A_177 = tpu.memref_squeeze %dma_start3A_176 : memref<1x16x128xf32, #tpu.memory_space<vmem>> -> memref<16x128xf32, #tpu.memory_space<vmem>>
      %dma_start3A_178 = arith.constant 0 : i32
      %dma_start3A_179 = tpu.memref_slice %arg3[%dma_start3A_178, %multiple_of3A_166] : memref<16x1000000xf32, #tpu.memory_space<hbm>> -> memref<16x128xf32, #tpu.memory_space<hbm>>
      tpu.enqueue_dma source(%dma_start3A_179 : memref<16x128xf32, #tpu.memory_space<hbm>>) target(%dma_start3A_177 : memref<16x128xf32, #tpu.memory_space<vmem>>) target_semaphore(%arg12 : memref<!tpu.dma_semaphore, #tpu.memory_space<semaphore_mem>>)
      %dma_start3A_180 = arith.constant 5 : i32
      %dma_start3A_181 = arith.constant 0 : i32
      %dma_start3A_182 = arith.constant 0 : i32
      %dma_start3A_183 = tpu.memref_slice %arg9[%dma_start3A_180, %dma_start3A_181, %dma_start3A_182] : memref<16x16x128xf32, #tpu.memory_space<vmem>> -> memref<1x16x128xf32, #tpu.memory_space<vmem>>
      %dma_start3A_184 = tpu.memref_squeeze %dma_start3A_183 : memref<1x16x128xf32, #tpu.memory_space<vmem>> -> memref<16x128xf32, #tpu.memory_space<vmem>>
      %dma_start3A_185 = arith.constant 0 : i32
      %dma_start3A_186 = tpu.memref_slice %arg4[%dma_start3A_185, %multiple_of3A_166] : memref<16x1000000xf32, #tpu.memory_space<hbm>> -> memref<16x128xf32, #tpu.memory_space<hbm>>
      %dma_start3A_187 = arith.constant 0 : i32
      %dma_start3A_188 = arith.constant 0 : i32
      %dma_start3A_189 = tpu.memref_slice %arg9[%dma_start3A_180, %dma_start3A_187, %dma_start3A_188] : memref<16x16x128xf32, #tpu.memory_space<vmem>> -> memref<1x16x128xf32, #tpu.memory_space<vmem>>
      %dma_start3A_190 = tpu.memref_squeeze %dma_start3A_189 : memref<1x16x128xf32, #tpu.memory_space<vmem>> -> memref<16x128xf32, #tpu.memory_space<vmem>>
      %dma_start3A_191 = arith.constant 0 : i32
      %dma_start3A_192 = tpu.memref_slice %arg4[%dma_start3A_191, %multiple_of3A_166] : memref<16x1000000xf32, #tpu.memory_space<hbm>> -> memref<16x128xf32, #tpu.memory_space<hbm>>
      tpu.enqueue_dma source(%dma_start3A_192 : memref<16x128xf32, #tpu.memory_space<hbm>>) target(%dma_start3A_190 : memref<16x128xf32, #tpu.memory_space<vmem>>) target_semaphore(%arg12 : memref<!tpu.dma_semaphore, #tpu.memory_space<semaphore_mem>>)
      %slice3A_193 = vector.extract_strided_slice %get3A_11 {offsets = [6], sizes = [1], strides = [1]} : vector<16xi32> to vector<1xi32>
      %squeeze3A_194 = vector.extract %slice3A_193[0] : i32 from vector<1xi32>
      %and3A_195 = arith.constant -128 : i32
      %and3A_196 = arith.andi %squeeze3A_194, %and3A_195 : i32
      %multiple_of3A_197 = tpu.assume_multiple %and3A_196, 128 : i32
      %dma_start3A_198 = arith.constant 6 : i32
      %dma_start3A_199 = arith.constant 0 : i32
      %dma_start3A_200 = arith.constant 0 : i32
      %dma_start3A_201 = tpu.memref_slice %arg8[%dma_start3A_198, %dma_start3A_199, %dma_start3A_200] : memref<16x16x128xf32, #tpu.memory_space<vmem>> -> memref<1x16x128xf32, #tpu.memory_space<vmem>>
      %dma_start3A_202 = tpu.memref_squeeze %dma_start3A_201 : memref<1x16x128xf32, #tpu.memory_space<vmem>> -> memref<16x128xf32, #tpu.memory_space<vmem>>
      %dma_start3A_203 = arith.constant 0 : i32
      %dma_start3A_204 = tpu.memref_slice %arg3[%dma_start3A_203, %multiple_of3A_197] : memref<16x1000000xf32, #tpu.memory_space<hbm>> -> memref<16x128xf32, #tpu.memory_space<hbm>>
      %dma_start3A_205 = arith.constant 0 : i32
      %dma_start3A_206 = arith.constant 0 : i32
      %dma_start3A_207 = tpu.memref_slice %arg8[%dma_start3A_198, %dma_start3A_205, %dma_start3A_206] : memref<16x16x128xf32, #tpu.memory_space<vmem>> -> memref<1x16x128xf32, #tpu.memory_space<vmem>>
      %dma_start3A_208 = tpu.memref_squeeze %dma_start3A_207 : memref<1x16x128xf32, #tpu.memory_space<vmem>> -> memref<16x128xf32, #tpu.memory_space<vmem>>
      %dma_start3A_209 = arith.constant 0 : i32
      %dma_start3A_210 = tpu.memref_slice %arg3[%dma_start3A_209, %multiple_of3A_197] : memref<16x1000000xf32, #tpu.memory_space<hbm>> -> memref<16x128xf32, #tpu.memory_space<hbm>>
      tpu.enqueue_dma source(%dma_start3A_210 : memref<16x128xf32, #tpu.memory_space<hbm>>) target(%dma_start3A_208 : memref<16x128xf32, #tpu.memory_space<vmem>>) target_semaphore(%arg12 : memref<!tpu.dma_semaphore, #tpu.memory_space<semaphore_mem>>)
      %dma_start3A_211 = arith.constant 6 : i32
      %dma_start3A_212 = arith.constant 0 : i32
      %dma_start3A_213 = arith.constant 0 : i32
      %dma_start3A_214 = tpu.memref_slice %arg9[%dma_start3A_211, %dma_start3A_212, %dma_start3A_213] : memref<16x16x128xf32, #tpu.memory_space<vmem>> -> memref<1x16x128xf32, #tpu.memory_space<vmem>>
      %dma_start3A_215 = tpu.memref_squeeze %dma_start3A_214 : memref<1x16x128xf32, #tpu.memory_space<vmem>> -> memref<16x128xf32, #tpu.memory_space<vmem>>
      %dma_start3A_216 = arith.constant 0 : i32
      %dma_start3A_217 = tpu.memref_slice %arg4[%dma_start3A_216, %multiple_of3A_197] : memref<16x1000000xf32, #tpu.memory_space<hbm>> -> memref<16x128xf32, #tpu.memory_space<hbm>>
      %dma_start3A_218 = arith.constant 0 : i32
      %dma_start3A_219 = arith.constant 0 : i32
      %dma_start3A_220 = tpu.memref_slice %arg9[%dma_start3A_211, %dma_start3A_218, %dma_start3A_219] : memref<16x16x128xf32, #tpu.memory_space<vmem>> -> memref<1x16x128xf32, #tpu.memory_space<vmem>>
      %dma_start3A_221 = tpu.memref_squeeze %dma_start3A_220 : memref<1x16x128xf32, #tpu.memory_space<vmem>> -> memref<16x128xf32, #tpu.memory_space<vmem>>
      %dma_start3A_222 = arith.constant 0 : i32
      %dma_start3A_223 = tpu.memref_slice %arg4[%dma_start3A_222, %multiple_of3A_197] : memref<16x1000000xf32, #tpu.memory_space<hbm>> -> memref<16x128xf32, #tpu.memory_space<hbm>>
      tpu.enqueue_dma source(%dma_start3A_223 : memref<16x128xf32, #tpu.memory_space<hbm>>) target(%dma_start3A_221 : memref<16x128xf32, #tpu.memory_space<vmem>>) target_semaphore(%arg12 : memref<!tpu.dma_semaphore, #tpu.memory_space<semaphore_mem>>)
      %slice3A_224 = vector.extract_strided_slice %get3A_11 {offsets = [7], sizes = [1], strides = [1]} : vector<16xi32> to vector<1xi32>
      %squeeze3A_225 = vector.extract %slice3A_224[0] : i32 from vector<1xi32>
      %and3A_226 = arith.constant -128 : i32
      %and3A_227 = arith.andi %squeeze3A_225, %and3A_226 : i32
      %multiple_of3A_228 = tpu.assume_multiple %and3A_227, 128 : i32
      %dma_start3A_229 = arith.constant 7 : i32
      %dma_start3A_230 = arith.constant 0 : i32
      %dma_start3A_231 = arith.constant 0 : i32
      %dma_start3A_232 = tpu.memref_slice %arg8[%dma_start3A_229, %dma_start3A_230, %dma_start3A_231] : memref<16x16x128xf32, #tpu.memory_space<vmem>> -> memref<1x16x128xf32, #tpu.memory_space<vmem>>
      %dma_start3A_233 = tpu.memref_squeeze %dma_start3A_232 : memref<1x16x128xf32, #tpu.memory_space<vmem>> -> memref<16x128xf32, #tpu.memory_space<vmem>>
      %dma_start3A_234 = arith.constant 0 : i32
      %dma_start3A_235 = tpu.memref_slice %arg3[%dma_start3A_234, %multiple_of3A_228] : memref<16x1000000xf32, #tpu.memory_space<hbm>> -> memref<16x128xf32, #tpu.memory_space<hbm>>
      %dma_start3A_236 = arith.constant 0 : i32
      %dma_start3A_237 = arith.constant 0 : i32
      %dma_start3A_238 = tpu.memref_slice %arg8[%dma_start3A_229, %dma_start3A_236, %dma_start3A_237] : memref<16x16x128xf32, #tpu.memory_space<vmem>> -> memref<1x16x128xf32, #tpu.memory_space<vmem>>
      %dma_start3A_239 = tpu.memref_squeeze %dma_start3A_238 : memref<1x16x128xf32, #tpu.memory_space<vmem>> -> memref<16x128xf32, #tpu.memory_space<vmem>>
      %dma_start3A_240 = arith.constant 0 : i32
      %dma_start3A_241 = tpu.memref_slice %arg3[%dma_start3A_240, %multiple_of3A_228] : memref<16x1000000xf32, #tpu.memory_space<hbm>> -> memref<16x128xf32, #tpu.memory_space<hbm>>
      tpu.enqueue_dma source(%dma_start3A_241 : memref<16x128xf32, #tpu.memory_space<hbm>>) target(%dma_start3A_239 : memref<16x128xf32, #tpu.memory_space<vmem>>) target_semaphore(%arg12 : memref<!tpu.dma_semaphore, #tpu.memory_space<semaphore_mem>>)
      %dma_start3A_242 = arith.constant 7 : i32
      %dma_start3A_243 = arith.constant 0 : i32
      %dma_start3A_244 = arith.constant 0 : i32
      %dma_start3A_245 = tpu.memref_slice %arg9[%dma_start3A_242, %dma_start3A_243, %dma_start3A_244] : memref<16x16x128xf32, #tpu.memory_space<vmem>> -> memref<1x16x128xf32, #tpu.memory_space<vmem>>
      %dma_start3A_246 = tpu.memref_squeeze %dma_start3A_245 : memref<1x16x128xf32, #tpu.memory_space<vmem>> -> memref<16x128xf32, #tpu.memory_space<vmem>>
      %dma_start3A_247 = arith.constant 0 : i32
      %dma_start3A_248 = tpu.memref_slice %arg4[%dma_start3A_247, %multiple_of3A_228] : memref<16x1000000xf32, #tpu.memory_space<hbm>> -> memref<16x128xf32, #tpu.memory_space<hbm>>
      %dma_start3A_249 = arith.constant 0 : i32
      %dma_start3A_250 = arith.constant 0 : i32
      %dma_start3A_251 = tpu.memref_slice %arg9[%dma_start3A_242, %dma_start3A_249, %dma_start3A_250] : memref<16x16x128xf32, #tpu.memory_space<vmem>> -> memref<1x16x128xf32, #tpu.memory_space<vmem>>
      %dma_start3A_252 = tpu.memref_squeeze %dma_start3A_251 : memref<1x16x128xf32, #tpu.memory_space<vmem>> -> memref<16x128xf32, #tpu.memory_space<vmem>>
      %dma_start3A_253 = arith.constant 0 : i32
      %dma_start3A_254 = tpu.memref_slice %arg4[%dma_start3A_253, %multiple_of3A_228] : memref<16x1000000xf32, #tpu.memory_space<hbm>> -> memref<16x128xf32, #tpu.memory_space<hbm>>
      tpu.enqueue_dma source(%dma_start3A_254 : memref<16x128xf32, #tpu.memory_space<hbm>>) target(%dma_start3A_252 : memref<16x128xf32, #tpu.memory_space<vmem>>) target_semaphore(%arg12 : memref<!tpu.dma_semaphore, #tpu.memory_space<semaphore_mem>>)
      %slice3A_255 = vector.extract_strided_slice %get3A_11 {offsets = [8], sizes = [1], strides = [1]} : vector<16xi32> to vector<1xi32>
      %squeeze3A_256 = vector.extract %slice3A_255[0] : i32 from vector<1xi32>
      %and3A_257 = arith.constant -128 : i32
      %and3A_258 = arith.andi %squeeze3A_256, %and3A_257 : i32
      %multiple_of3A_259 = tpu.assume_multiple %and3A_258, 128 : i32
      %dma_start3A_260 = arith.constant 8 : i32
      %dma_start3A_261 = arith.constant 0 : i32
      %dma_start3A_262 = arith.constant 0 : i32
      %dma_start3A_263 = tpu.memref_slice %arg8[%dma_start3A_260, %dma_start3A_261, %dma_start3A_262] : memref<16x16x128xf32, #tpu.memory_space<vmem>> -> memref<1x16x128xf32, #tpu.memory_space<vmem>>
      %dma_start3A_264 = tpu.memref_squeeze %dma_start3A_263 : memref<1x16x128xf32, #tpu.memory_space<vmem>> -> memref<16x128xf32, #tpu.memory_space<vmem>>
      %dma_start3A_265 = arith.constant 0 : i32
      %dma_start3A_266 = tpu.memref_slice %arg3[%dma_start3A_265, %multiple_of3A_259] : memref<16x1000000xf32, #tpu.memory_space<hbm>> -> memref<16x128xf32, #tpu.memory_space<hbm>>
      %dma_start3A_267 = arith.constant 0 : i32
      %dma_start3A_268 = arith.constant 0 : i32
      %dma_start3A_269 = tpu.memref_slice %arg8[%dma_start3A_260, %dma_start3A_267, %dma_start3A_268] : memref<16x16x128xf32, #tpu.memory_space<vmem>> -> memref<1x16x128xf32, #tpu.memory_space<vmem>>
      %dma_start3A_270 = tpu.memref_squeeze %dma_start3A_269 : memref<1x16x128xf32, #tpu.memory_space<vmem>> -> memref<16x128xf32, #tpu.memory_space<vmem>>
      %dma_start3A_271 = arith.constant 0 : i32
      %dma_start3A_272 = tpu.memref_slice %arg3[%dma_start3A_271, %multiple_of3A_259] : memref<16x1000000xf32, #tpu.memory_space<hbm>> -> memref<16x128xf32, #tpu.memory_space<hbm>>
      tpu.enqueue_dma source(%dma_start3A_272 : memref<16x128xf32, #tpu.memory_space<hbm>>) target(%dma_start3A_270 : memref<16x128xf32, #tpu.memory_space<vmem>>) target_semaphore(%arg12 : memref<!tpu.dma_semaphore, #tpu.memory_space<semaphore_mem>>)
      %dma_start3A_273 = arith.constant 8 : i32
      %dma_start3A_274 = arith.constant 0 : i32
      %dma_start3A_275 = arith.constant 0 : i32
      %dma_start3A_276 = tpu.memref_slice %arg9[%dma_start3A_273, %dma_start3A_274, %dma_start3A_275] : memref<16x16x128xf32, #tpu.memory_space<vmem>> -> memref<1x16x128xf32, #tpu.memory_space<vmem>>
      %dma_start3A_277 = tpu.memref_squeeze %dma_start3A_276 : memref<1x16x128xf32, #tpu.memory_space<vmem>> -> memref<16x128xf32, #tpu.memory_space<vmem>>
      %dma_start3A_278 = arith.constant 0 : i32
      %dma_start3A_279 = tpu.memref_slice %arg4[%dma_start3A_278, %multiple_of3A_259] : memref<16x1000000xf32, #tpu.memory_space<hbm>> -> memref<16x128xf32, #tpu.memory_space<hbm>>
      %dma_start3A_280 = arith.constant 0 : i32
      %dma_start3A_281 = arith.constant 0 : i32
      %dma_start3A_282 = tpu.memref_slice %arg9[%dma_start3A_273, %dma_start3A_280, %dma_start3A_281] : memref<16x16x128xf32, #tpu.memory_space<vmem>> -> memref<1x16x128xf32, #tpu.memory_space<vmem>>
      %dma_start3A_283 = tpu.memref_squeeze %dma_start3A_282 : memref<1x16x128xf32, #tpu.memory_space<vmem>> -> memref<16x128xf32, #tpu.memory_space<vmem>>
      %dma_start3A_284 = arith.constant 0 : i32
      %dma_start3A_285 = tpu.memref_slice %arg4[%dma_start3A_284, %multiple_of3A_259] : memref<16x1000000xf32, #tpu.memory_space<hbm>> -> memref<16x128xf32, #tpu.memory_space<hbm>>
      tpu.enqueue_dma source(%dma_start3A_285 : memref<16x128xf32, #tpu.memory_space<hbm>>) target(%dma_start3A_283 : memref<16x128xf32, #tpu.memory_space<vmem>>) target_semaphore(%arg12 : memref<!tpu.dma_semaphore, #tpu.memory_space<semaphore_mem>>)
      %slice3A_286 = vector.extract_strided_slice %get3A_11 {offsets = [9], sizes = [1], strides = [1]} : vector<16xi32> to vector<1xi32>
      %squeeze3A_287 = vector.extract %slice3A_286[0] : i32 from vector<1xi32>
      %and3A_288 = arith.constant -128 : i32
      %and3A_289 = arith.andi %squeeze3A_287, %and3A_288 : i32
      %multiple_of3A_290 = tpu.assume_multiple %and3A_289, 128 : i32
      %dma_start3A_291 = arith.constant 9 : i32
      %dma_start3A_292 = arith.constant 0 : i32
      %dma_start3A_293 = arith.constant 0 : i32
      %dma_start3A_294 = tpu.memref_slice %arg8[%dma_start3A_291, %dma_start3A_292, %dma_start3A_293] : memref<16x16x128xf32, #tpu.memory_space<vmem>> -> memref<1x16x128xf32, #tpu.memory_space<vmem>>
      %dma_start3A_295 = tpu.memref_squeeze %dma_start3A_294 : memref<1x16x128xf32, #tpu.memory_space<vmem>> -> memref<16x128xf32, #tpu.memory_space<vmem>>
      %dma_start3A_296 = arith.constant 0 : i32
      %dma_start3A_297 = tpu.memref_slice %arg3[%dma_start3A_296, %multiple_of3A_290] : memref<16x1000000xf32, #tpu.memory_space<hbm>> -> memref<16x128xf32, #tpu.memory_space<hbm>>
      %dma_start3A_298 = arith.constant 0 : i32
      %dma_start3A_299 = arith.constant 0 : i32
      %dma_start3A_300 = tpu.memref_slice %arg8[%dma_start3A_291, %dma_start3A_298, %dma_start3A_299] : memref<16x16x128xf32, #tpu.memory_space<vmem>> -> memref<1x16x128xf32, #tpu.memory_space<vmem>>
      %dma_start3A_301 = tpu.memref_squeeze %dma_start3A_300 : memref<1x16x128xf32, #tpu.memory_space<vmem>> -> memref<16x128xf32, #tpu.memory_space<vmem>>
      %dma_start3A_302 = arith.constant 0 : i32
      %dma_start3A_303 = tpu.memref_slice %arg3[%dma_start3A_302, %multiple_of3A_290] : memref<16x1000000xf32, #tpu.memory_space<hbm>> -> memref<16x128xf32, #tpu.memory_space<hbm>>
      tpu.enqueue_dma source(%dma_start3A_303 : memref<16x128xf32, #tpu.memory_space<hbm>>) target(%dma_start3A_301 : memref<16x128xf32, #tpu.memory_space<vmem>>) target_semaphore(%arg12 : memref<!tpu.dma_semaphore, #tpu.memory_space<semaphore_mem>>)
      %dma_start3A_304 = arith.constant 9 : i32
      %dma_start3A_305 = arith.constant 0 : i32
      %dma_start3A_306 = arith.constant 0 : i32
      %dma_start3A_307 = tpu.memref_slice %arg9[%dma_start3A_304, %dma_start3A_305, %dma_start3A_306] : memref<16x16x128xf32, #tpu.memory_space<vmem>> -> memref<1x16x128xf32, #tpu.memory_space<vmem>>
      %dma_start3A_308 = tpu.memref_squeeze %dma_start3A_307 : memref<1x16x128xf32, #tpu.memory_space<vmem>> -> memref<16x128xf32, #tpu.memory_space<vmem>>
      %dma_start3A_309 = arith.constant 0 : i32
      %dma_start3A_310 = tpu.memref_slice %arg4[%dma_start3A_309, %multiple_of3A_290] : memref<16x1000000xf32, #tpu.memory_space<hbm>> -> memref<16x128xf32, #tpu.memory_space<hbm>>
      %dma_start3A_311 = arith.constant 0 : i32
      %dma_start3A_312 = arith.constant 0 : i32
      %dma_start3A_313 = tpu.memref_slice %arg9[%dma_start3A_304, %dma_start3A_311, %dma_start3A_312] : memref<16x16x128xf32, #tpu.memory_space<vmem>> -> memref<1x16x128xf32, #tpu.memory_space<vmem>>
      %dma_start3A_314 = tpu.memref_squeeze %dma_start3A_313 : memref<1x16x128xf32, #tpu.memory_space<vmem>> -> memref<16x128xf32, #tpu.memory_space<vmem>>
      %dma_start3A_315 = arith.constant 0 : i32
      %dma_start3A_316 = tpu.memref_slice %arg4[%dma_start3A_315, %multiple_of3A_290] : memref<16x1000000xf32, #tpu.memory_space<hbm>> -> memref<16x128xf32, #tpu.memory_space<hbm>>
      tpu.enqueue_dma source(%dma_start3A_316 : memref<16x128xf32, #tpu.memory_space<hbm>>) target(%dma_start3A_314 : memref<16x128xf32, #tpu.memory_space<vmem>>) target_semaphore(%arg12 : memref<!tpu.dma_semaphore, #tpu.memory_space<semaphore_mem>>)
      %slice3A_317 = vector.extract_strided_slice %get3A_11 {offsets = [10], sizes = [1], strides = [1]} : vector<16xi32> to vector<1xi32>
      %squeeze3A_318 = vector.extract %slice3A_317[0] : i32 from vector<1xi32>
      %and3A_319 = arith.constant -128 : i32
      %and3A_320 = arith.andi %squeeze3A_318, %and3A_319 : i32
      %multiple_of3A_321 = tpu.assume_multiple %and3A_320, 128 : i32
      %dma_start3A_322 = arith.constant 10 : i32
      %dma_start3A_323 = arith.constant 0 : i32
      %dma_start3A_324 = arith.constant 0 : i32
      %dma_start3A_325 = tpu.memref_slice %arg8[%dma_start3A_322, %dma_start3A_323, %dma_start3A_324] : memref<16x16x128xf32, #tpu.memory_space<vmem>> -> memref<1x16x128xf32, #tpu.memory_space<vmem>>
      %dma_start3A_326 = tpu.memref_squeeze %dma_start3A_325 : memref<1x16x128xf32, #tpu.memory_space<vmem>> -> memref<16x128xf32, #tpu.memory_space<vmem>>
      %dma_start3A_327 = arith.constant 0 : i32
      %dma_start3A_328 = tpu.memref_slice %arg3[%dma_start3A_327, %multiple_of3A_321] : memref<16x1000000xf32, #tpu.memory_space<hbm>> -> memref<16x128xf32, #tpu.memory_space<hbm>>
      %dma_start3A_329 = arith.constant 0 : i32
      %dma_start3A_330 = arith.constant 0 : i32
      %dma_start3A_331 = tpu.memref_slice %arg8[%dma_start3A_322, %dma_start3A_329, %dma_start3A_330] : memref<16x16x128xf32, #tpu.memory_space<vmem>> -> memref<1x16x128xf32, #tpu.memory_space<vmem>>
      %dma_start3A_332 = tpu.memref_squeeze %dma_start3A_331 : memref<1x16x128xf32, #tpu.memory_space<vmem>> -> memref<16x128xf32, #tpu.memory_space<vmem>>
      %dma_start3A_333 = arith.constant 0 : i32
      %dma_start3A_334 = tpu.memref_slice %arg3[%dma_start3A_333, %multiple_of3A_321] : memref<16x1000000xf32, #tpu.memory_space<hbm>> -> memref<16x128xf32, #tpu.memory_space<hbm>>
      tpu.enqueue_dma source(%dma_start3A_334 : memref<16x128xf32, #tpu.memory_space<hbm>>) target(%dma_start3A_332 : memref<16x128xf32, #tpu.memory_space<vmem>>) target_semaphore(%arg12 : memref<!tpu.dma_semaphore, #tpu.memory_space<semaphore_mem>>)
      %dma_start3A_335 = arith.constant 10 : i32
      %dma_start3A_336 = arith.constant 0 : i32
      %dma_start3A_337 = arith.constant 0 : i32
      %dma_start3A_338 = tpu.memref_slice %arg9[%dma_start3A_335, %dma_start3A_336, %dma_start3A_337] : memref<16x16x128xf32, #tpu.memory_space<vmem>> -> memref<1x16x128xf32, #tpu.memory_space<vmem>>
      %dma_start3A_339 = tpu.memref_squeeze %dma_start3A_338 : memref<1x16x128xf32, #tpu.memory_space<vmem>> -> memref<16x128xf32, #tpu.memory_space<vmem>>
      %dma_start3A_340 = arith.constant 0 : i32
      %dma_start3A_341 = tpu.memref_slice %arg4[%dma_start3A_340, %multiple_of3A_321] : memref<16x1000000xf32, #tpu.memory_space<hbm>> -> memref<16x128xf32, #tpu.memory_space<hbm>>
      %dma_start3A_342 = arith.constant 0 : i32
      %dma_start3A_343 = arith.constant 0 : i32
      %dma_start3A_344 = tpu.memref_slice %arg9[%dma_start3A_335, %dma_start3A_342, %dma_start3A_343] : memref<16x16x128xf32, #tpu.memory_space<vmem>> -> memref<1x16x128xf32, #tpu.memory_space<vmem>>
      %dma_start3A_345 = tpu.memref_squeeze %dma_start3A_344 : memref<1x16x128xf32, #tpu.memory_space<vmem>> -> memref<16x128xf32, #tpu.memory_space<vmem>>
      %dma_start3A_346 = arith.constant 0 : i32
      %dma_start3A_347 = tpu.memref_slice %arg4[%dma_start3A_346, %multiple_of3A_321] : memref<16x1000000xf32, #tpu.memory_space<hbm>> -> memref<16x128xf32, #tpu.memory_space<hbm>>
      tpu.enqueue_dma source(%dma_start3A_347 : memref<16x128xf32, #tpu.memory_space<hbm>>) target(%dma_start3A_345 : memref<16x128xf32, #tpu.memory_space<vmem>>) target_semaphore(%arg12 : memref<!tpu.dma_semaphore, #tpu.memory_space<semaphore_mem>>)
      %slice3A_348 = vector.extract_strided_slice %get3A_11 {offsets = [11], sizes = [1], strides = [1]} : vector<16xi32> to vector<1xi32>
      %squeeze3A_349 = vector.extract %slice3A_348[0] : i32 from vector<1xi32>
      %and3A_350 = arith.constant -128 : i32
      %and3A_351 = arith.andi %squeeze3A_349, %and3A_350 : i32
      %multiple_of3A_352 = tpu.assume_multiple %and3A_351, 128 : i32
      %dma_start3A_353 = arith.constant 11 : i32
      %dma_start3A_354 = arith.constant 0 : i32
      %dma_start3A_355 = arith.constant 0 : i32
      %dma_start3A_356 = tpu.memref_slice %arg8[%dma_start3A_353, %dma_start3A_354, %dma_start3A_355] : memref<16x16x128xf32, #tpu.memory_space<vmem>> -> memref<1x16x128xf32, #tpu.memory_space<vmem>>
      %dma_start3A_357 = tpu.memref_squeeze %dma_start3A_356 : memref<1x16x128xf32, #tpu.memory_space<vmem>> -> memref<16x128xf32, #tpu.memory_space<vmem>>
      %dma_start3A_358 = arith.constant 0 : i32
      %dma_start3A_359 = tpu.memref_slice %arg3[%dma_start3A_358, %multiple_of3A_352] : memref<16x1000000xf32, #tpu.memory_space<hbm>> -> memref<16x128xf32, #tpu.memory_space<hbm>>
      %dma_start3A_360 = arith.constant 0 : i32
      %dma_start3A_361 = arith.constant 0 : i32
      %dma_start3A_362 = tpu.memref_slice %arg8[%dma_start3A_353, %dma_start3A_360, %dma_start3A_361] : memref<16x16x128xf32, #tpu.memory_space<vmem>> -> memref<1x16x128xf32, #tpu.memory_space<vmem>>
      %dma_start3A_363 = tpu.memref_squeeze %dma_start3A_362 : memref<1x16x128xf32, #tpu.memory_space<vmem>> -> memref<16x128xf32, #tpu.memory_space<vmem>>
      %dma_start3A_364 = arith.constant 0 : i32
      %dma_start3A_365 = tpu.memref_slice %arg3[%dma_start3A_364, %multiple_of3A_352] : memref<16x1000000xf32, #tpu.memory_space<hbm>> -> memref<16x128xf32, #tpu.memory_space<hbm>>
      tpu.enqueue_dma source(%dma_start3A_365 : memref<16x128xf32, #tpu.memory_space<hbm>>) target(%dma_start3A_363 : memref<16x128xf32, #tpu.memory_space<vmem>>) target_semaphore(%arg12 : memref<!tpu.dma_semaphore, #tpu.memory_space<semaphore_mem>>)
      %dma_start3A_366 = arith.constant 11 : i32
      %dma_start3A_367 = arith.constant 0 : i32
      %dma_start3A_368 = arith.constant 0 : i32
      %dma_start3A_369 = tpu.memref_slice %arg9[%dma_start3A_366, %dma_start3A_367, %dma_start3A_368] : memref<16x16x128xf32, #tpu.memory_space<vmem>> -> memref<1x16x128xf32, #tpu.memory_space<vmem>>
      %dma_start3A_370 = tpu.memref_squeeze %dma_start3A_369 : memref<1x16x128xf32, #tpu.memory_space<vmem>> -> memref<16x128xf32, #tpu.memory_space<vmem>>
      %dma_start3A_371 = arith.constant 0 : i32
      %dma_start3A_372 = tpu.memref_slice %arg4[%dma_start3A_371, %multiple_of3A_352] : memref<16x1000000xf32, #tpu.memory_space<hbm>> -> memref<16x128xf32, #tpu.memory_space<hbm>>
      %dma_start3A_373 = arith.constant 0 : i32
      %dma_start3A_374 = arith.constant 0 : i32
      %dma_start3A_375 = tpu.memref_slice %arg9[%dma_start3A_366, %dma_start3A_373, %dma_start3A_374] : memref<16x16x128xf32, #tpu.memory_space<vmem>> -> memref<1x16x128xf32, #tpu.memory_space<vmem>>
      %dma_start3A_376 = tpu.memref_squeeze %dma_start3A_375 : memref<1x16x128xf32, #tpu.memory_space<vmem>> -> memref<16x128xf32, #tpu.memory_space<vmem>>
      %dma_start3A_377 = arith.constant 0 : i32
      %dma_start3A_378 = tpu.memref_slice %arg4[%dma_start3A_377, %multiple_of3A_352] : memref<16x1000000xf32, #tpu.memory_space<hbm>> -> memref<16x128xf32, #tpu.memory_space<hbm>>
      tpu.enqueue_dma source(%dma_start3A_378 : memref<16x128xf32, #tpu.memory_space<hbm>>) target(%dma_start3A_376 : memref<16x128xf32, #tpu.memory_space<vmem>>) target_semaphore(%arg12 : memref<!tpu.dma_semaphore, #tpu.memory_space<semaphore_mem>>)
      %slice3A_379 = vector.extract_strided_slice %get3A_11 {offsets = [12], sizes = [1], strides = [1]} : vector<16xi32> to vector<1xi32>
      %squeeze3A_380 = vector.extract %slice3A_379[0] : i32 from vector<1xi32>
      %and3A_381 = arith.constant -128 : i32
      %and3A_382 = arith.andi %squeeze3A_380, %and3A_381 : i32
      %multiple_of3A_383 = tpu.assume_multiple %and3A_382, 128 : i32
      %dma_start3A_384 = arith.constant 12 : i32
      %dma_start3A_385 = arith.constant 0 : i32
      %dma_start3A_386 = arith.constant 0 : i32
      %dma_start3A_387 = tpu.memref_slice %arg8[%dma_start3A_384, %dma_start3A_385, %dma_start3A_386] : memref<16x16x128xf32, #tpu.memory_space<vmem>> -> memref<1x16x128xf32, #tpu.memory_space<vmem>>
      %dma_start3A_388 = tpu.memref_squeeze %dma_start3A_387 : memref<1x16x128xf32, #tpu.memory_space<vmem>> -> memref<16x128xf32, #tpu.memory_space<vmem>>
      %dma_start3A_389 = arith.constant 0 : i32
      %dma_start3A_390 = tpu.memref_slice %arg3[%dma_start3A_389, %multiple_of3A_383] : memref<16x1000000xf32, #tpu.memory_space<hbm>> -> memref<16x128xf32, #tpu.memory_space<hbm>>
      %dma_start3A_391 = arith.constant 0 : i32
      %dma_start3A_392 = arith.constant 0 : i32
      %dma_start3A_393 = tpu.memref_slice %arg8[%dma_start3A_384, %dma_start3A_391, %dma_start3A_392] : memref<16x16x128xf32, #tpu.memory_space<vmem>> -> memref<1x16x128xf32, #tpu.memory_space<vmem>>
      %dma_start3A_394 = tpu.memref_squeeze %dma_start3A_393 : memref<1x16x128xf32, #tpu.memory_space<vmem>> -> memref<16x128xf32, #tpu.memory_space<vmem>>
      %dma_start3A_395 = arith.constant 0 : i32
      %dma_start3A_396 = tpu.memref_slice %arg3[%dma_start3A_395, %multiple_of3A_383] : memref<16x1000000xf32, #tpu.memory_space<hbm>> -> memref<16x128xf32, #tpu.memory_space<hbm>>
      tpu.enqueue_dma source(%dma_start3A_396 : memref<16x128xf32, #tpu.memory_space<hbm>>) target(%dma_start3A_394 : memref<16x128xf32, #tpu.memory_space<vmem>>) target_semaphore(%arg12 : memref<!tpu.dma_semaphore, #tpu.memory_space<semaphore_mem>>)
      %dma_start3A_397 = arith.constant 12 : i32
      %dma_start3A_398 = arith.constant 0 : i32
      %dma_start3A_399 = arith.constant 0 : i32
      %dma_start3A_400 = tpu.memref_slice %arg9[%dma_start3A_397, %dma_start3A_398, %dma_start3A_399] : memref<16x16x128xf32, #tpu.memory_space<vmem>> -> memref<1x16x128xf32, #tpu.memory_space<vmem>>
      %dma_start3A_401 = tpu.memref_squeeze %dma_start3A_400 : memref<1x16x128xf32, #tpu.memory_space<vmem>> -> memref<16x128xf32, #tpu.memory_space<vmem>>
      %dma_start3A_402 = arith.constant 0 : i32
      %dma_start3A_403 = tpu.memref_slice %arg4[%dma_start3A_402, %multiple_of3A_383] : memref<16x1000000xf32, #tpu.memory_space<hbm>> -> memref<16x128xf32, #tpu.memory_space<hbm>>
      %dma_start3A_404 = arith.constant 0 : i32
      %dma_start3A_405 = arith.constant 0 : i32
      %dma_start3A_406 = tpu.memref_slice %arg9[%dma_start3A_397, %dma_start3A_404, %dma_start3A_405] : memref<16x16x128xf32, #tpu.memory_space<vmem>> -> memref<1x16x128xf32, #tpu.memory_space<vmem>>
      %dma_start3A_407 = tpu.memref_squeeze %dma_start3A_406 : memref<1x16x128xf32, #tpu.memory_space<vmem>> -> memref<16x128xf32, #tpu.memory_space<vmem>>
      %dma_start3A_408 = arith.constant 0 : i32
      %dma_start3A_409 = tpu.memref_slice %arg4[%dma_start3A_408, %multiple_of3A_383] : memref<16x1000000xf32, #tpu.memory_space<hbm>> -> memref<16x128xf32, #tpu.memory_space<hbm>>
      tpu.enqueue_dma source(%dma_start3A_409 : memref<16x128xf32, #tpu.memory_space<hbm>>) target(%dma_start3A_407 : memref<16x128xf32, #tpu.memory_space<vmem>>) target_semaphore(%arg12 : memref<!tpu.dma_semaphore, #tpu.memory_space<semaphore_mem>>)
      %slice3A_410 = vector.extract_strided_slice %get3A_11 {offsets = [13], sizes = [1], strides = [1]} : vector<16xi32> to vector<1xi32>
      %squeeze3A_411 = vector.extract %slice3A_410[0] : i32 from vector<1xi32>
      %and3A_412 = arith.constant -128 : i32
      %and3A_413 = arith.andi %squeeze3A_411, %and3A_412 : i32
      %multiple_of3A_414 = tpu.assume_multiple %and3A_413, 128 : i32
      %dma_start3A_415 = arith.constant 13 : i32
      %dma_start3A_416 = arith.constant 0 : i32
      %dma_start3A_417 = arith.constant 0 : i32
      %dma_start3A_418 = tpu.memref_slice %arg8[%dma_start3A_415, %dma_start3A_416, %dma_start3A_417] : memref<16x16x128xf32, #tpu.memory_space<vmem>> -> memref<1x16x128xf32, #tpu.memory_space<vmem>>
      %dma_start3A_419 = tpu.memref_squeeze %dma_start3A_418 : memref<1x16x128xf32, #tpu.memory_space<vmem>> -> memref<16x128xf32, #tpu.memory_space<vmem>>
      %dma_start3A_420 = arith.constant 0 : i32
      %dma_start3A_421 = tpu.memref_slice %arg3[%dma_start3A_420, %multiple_of3A_414] : memref<16x1000000xf32, #tpu.memory_space<hbm>> -> memref<16x128xf32, #tpu.memory_space<hbm>>
      %dma_start3A_422 = arith.constant 0 : i32
      %dma_start3A_423 = arith.constant 0 : i32
      %dma_start3A_424 = tpu.memref_slice %arg8[%dma_start3A_415, %dma_start3A_422, %dma_start3A_423] : memref<16x16x128xf32, #tpu.memory_space<vmem>> -> memref<1x16x128xf32, #tpu.memory_space<vmem>>
      %dma_start3A_425 = tpu.memref_squeeze %dma_start3A_424 : memref<1x16x128xf32, #tpu.memory_space<vmem>> -> memref<16x128xf32, #tpu.memory_space<vmem>>
      %dma_start3A_426 = arith.constant 0 : i32
      %dma_start3A_427 = tpu.memref_slice %arg3[%dma_start3A_426, %multiple_of3A_414] : memref<16x1000000xf32, #tpu.memory_space<hbm>> -> memref<16x128xf32, #tpu.memory_space<hbm>>
      tpu.enqueue_dma source(%dma_start3A_427 : memref<16x128xf32, #tpu.memory_space<hbm>>) target(%dma_start3A_425 : memref<16x128xf32, #tpu.memory_space<vmem>>) target_semaphore(%arg12 : memref<!tpu.dma_semaphore, #tpu.memory_space<semaphore_mem>>)
      %dma_start3A_428 = arith.constant 13 : i32
      %dma_start3A_429 = arith.constant 0 : i32
      %dma_start3A_430 = arith.constant 0 : i32
      %dma_start3A_431 = tpu.memref_slice %arg9[%dma_start3A_428, %dma_start3A_429, %dma_start3A_430] : memref<16x16x128xf32, #tpu.memory_space<vmem>> -> memref<1x16x128xf32, #tpu.memory_space<vmem>>
      %dma_start3A_432 = tpu.memref_squeeze %dma_start3A_431 : memref<1x16x128xf32, #tpu.memory_space<vmem>> -> memref<16x128xf32, #tpu.memory_space<vmem>>
      %dma_start3A_433 = arith.constant 0 : i32
      %dma_start3A_434 = tpu.memref_slice %arg4[%dma_start3A_433, %multiple_of3A_414] : memref<16x1000000xf32, #tpu.memory_space<hbm>> -> memref<16x128xf32, #tpu.memory_space<hbm>>
      %dma_start3A_435 = arith.constant 0 : i32
      %dma_start3A_436 = arith.constant 0 : i32
      %dma_start3A_437 = tpu.memref_slice %arg9[%dma_start3A_428, %dma_start3A_435, %dma_start3A_436] : memref<16x16x128xf32, #tpu.memory_space<vmem>> -> memref<1x16x128xf32, #tpu.memory_space<vmem>>
      %dma_start3A_438 = tpu.memref_squeeze %dma_start3A_437 : memref<1x16x128xf32, #tpu.memory_space<vmem>> -> memref<16x128xf32, #tpu.memory_space<vmem>>
      %dma_start3A_439 = arith.constant 0 : i32
      %dma_start3A_440 = tpu.memref_slice %arg4[%dma_start3A_439, %multiple_of3A_414] : memref<16x1000000xf32, #tpu.memory_space<hbm>> -> memref<16x128xf32, #tpu.memory_space<hbm>>
      tpu.enqueue_dma source(%dma_start3A_440 : memref<16x128xf32, #tpu.memory_space<hbm>>) target(%dma_start3A_438 : memref<16x128xf32, #tpu.memory_space<vmem>>) target_semaphore(%arg12 : memref<!tpu.dma_semaphore, #tpu.memory_space<semaphore_mem>>)
      %slice3A_441 = vector.extract_strided_slice %get3A_11 {offsets = [14], sizes = [1], strides = [1]} : vector<16xi32> to vector<1xi32>
      %squeeze3A_442 = vector.extract %slice3A_441[0] : i32 from vector<1xi32>
      %and3A_443 = arith.constant -128 : i32
      %and3A_444 = arith.andi %squeeze3A_442, %and3A_443 : i32
      %multiple_of3A_445 = tpu.assume_multiple %and3A_444, 128 : i32
      %dma_start3A_446 = arith.constant 14 : i32
      %dma_start3A_447 = arith.constant 0 : i32
      %dma_start3A_448 = arith.constant 0 : i32
      %dma_start3A_449 = tpu.memref_slice %arg8[%dma_start3A_446, %dma_start3A_447, %dma_start3A_448] : memref<16x16x128xf32, #tpu.memory_space<vmem>> -> memref<1x16x128xf32, #tpu.memory_space<vmem>>
      %dma_start3A_450 = tpu.memref_squeeze %dma_start3A_449 : memref<1x16x128xf32, #tpu.memory_space<vmem>> -> memref<16x128xf32, #tpu.memory_space<vmem>>
      %dma_start3A_451 = arith.constant 0 : i32
      %dma_start3A_452 = tpu.memref_slice %arg3[%dma_start3A_451, %multiple_of3A_445] : memref<16x1000000xf32, #tpu.memory_space<hbm>> -> memref<16x128xf32, #tpu.memory_space<hbm>>
      %dma_start3A_453 = arith.constant 0 : i32
      %dma_start3A_454 = arith.constant 0 : i32
      %dma_start3A_455 = tpu.memref_slice %arg8[%dma_start3A_446, %dma_start3A_453, %dma_start3A_454] : memref<16x16x128xf32, #tpu.memory_space<vmem>> -> memref<1x16x128xf32, #tpu.memory_space<vmem>>
      %dma_start3A_456 = tpu.memref_squeeze %dma_start3A_455 : memref<1x16x128xf32, #tpu.memory_space<vmem>> -> memref<16x128xf32, #tpu.memory_space<vmem>>
      %dma_start3A_457 = arith.constant 0 : i32
      %dma_start3A_458 = tpu.memref_slice %arg3[%dma_start3A_457, %multiple_of3A_445] : memref<16x1000000xf32, #tpu.memory_space<hbm>> -> memref<16x128xf32, #tpu.memory_space<hbm>>
      tpu.enqueue_dma source(%dma_start3A_458 : memref<16x128xf32, #tpu.memory_space<hbm>>) target(%dma_start3A_456 : memref<16x128xf32, #tpu.memory_space<vmem>>) target_semaphore(%arg12 : memref<!tpu.dma_semaphore, #tpu.memory_space<semaphore_mem>>)
      %dma_start3A_459 = arith.constant 14 : i32
      %dma_start3A_460 = arith.constant 0 : i32
      %dma_start3A_461 = arith.constant 0 : i32
      %dma_start3A_462 = tpu.memref_slice %arg9[%dma_start3A_459, %dma_start3A_460, %dma_start3A_461] : memref<16x16x128xf32, #tpu.memory_space<vmem>> -> memref<1x16x128xf32, #tpu.memory_space<vmem>>
      %dma_start3A_463 = tpu.memref_squeeze %dma_start3A_462 : memref<1x16x128xf32, #tpu.memory_space<vmem>> -> memref<16x128xf32, #tpu.memory_space<vmem>>
      %dma_start3A_464 = arith.constant 0 : i32
      %dma_start3A_465 = tpu.memref_slice %arg4[%dma_start3A_464, %multiple_of3A_445] : memref<16x1000000xf32, #tpu.memory_space<hbm>> -> memref<16x128xf32, #tpu.memory_space<hbm>>
      %dma_start3A_466 = arith.constant 0 : i32
      %dma_start3A_467 = arith.constant 0 : i32
      %dma_start3A_468 = tpu.memref_slice %arg9[%dma_start3A_459, %dma_start3A_466, %dma_start3A_467] : memref<16x16x128xf32, #tpu.memory_space<vmem>> -> memref<1x16x128xf32, #tpu.memory_space<vmem>>
      %dma_start3A_469 = tpu.memref_squeeze %dma_start3A_468 : memref<1x16x128xf32, #tpu.memory_space<vmem>> -> memref<16x128xf32, #tpu.memory_space<vmem>>
      %dma_start3A_470 = arith.constant 0 : i32
      %dma_start3A_471 = tpu.memref_slice %arg4[%dma_start3A_470, %multiple_of3A_445] : memref<16x1000000xf32, #tpu.memory_space<hbm>> -> memref<16x128xf32, #tpu.memory_space<hbm>>
      tpu.enqueue_dma source(%dma_start3A_471 : memref<16x128xf32, #tpu.memory_space<hbm>>) target(%dma_start3A_469 : memref<16x128xf32, #tpu.memory_space<vmem>>) target_semaphore(%arg12 : memref<!tpu.dma_semaphore, #tpu.memory_space<semaphore_mem>>)
      %slice3A_472 = vector.extract_strided_slice %get3A_11 {offsets = [15], sizes = [1], strides = [1]} : vector<16xi32> to vector<1xi32>
      %squeeze3A_473 = vector.extract %slice3A_472[0] : i32 from vector<1xi32>
      %and3A_474 = arith.constant -128 : i32
      %and3A_475 = arith.andi %squeeze3A_473, %and3A_474 : i32
      %multiple_of3A_476 = tpu.assume_multiple %and3A_475, 128 : i32
      %dma_start3A_477 = arith.constant 15 : i32
      %dma_start3A_478 = arith.constant 0 : i32
      %dma_start3A_479 = arith.constant 0 : i32
      %dma_start3A_480 = tpu.memref_slice %arg8[%dma_start3A_477, %dma_start3A_478, %dma_start3A_479] : memref<16x16x128xf32, #tpu.memory_space<vmem>> -> memref<1x16x128xf32, #tpu.memory_space<vmem>>
      %dma_start3A_481 = tpu.memref_squeeze %dma_start3A_480 : memref<1x16x128xf32, #tpu.memory_space<vmem>> -> memref<16x128xf32, #tpu.memory_space<vmem>>
      %dma_start3A_482 = arith.constant 0 : i32
      %dma_start3A_483 = tpu.memref_slice %arg3[%dma_start3A_482, %multiple_of3A_476] : memref<16x1000000xf32, #tpu.memory_space<hbm>> -> memref<16x128xf32, #tpu.memory_space<hbm>>
      %dma_start3A_484 = arith.constant 0 : i32
      %dma_start3A_485 = arith.constant 0 : i32
      %dma_start3A_486 = tpu.memref_slice %arg8[%dma_start3A_477, %dma_start3A_484, %dma_start3A_485] : memref<16x16x128xf32, #tpu.memory_space<vmem>> -> memref<1x16x128xf32, #tpu.memory_space<vmem>>
      %dma_start3A_487 = tpu.memref_squeeze %dma_start3A_486 : memref<1x16x128xf32, #tpu.memory_space<vmem>> -> memref<16x128xf32, #tpu.memory_space<vmem>>
      %dma_start3A_488 = arith.constant 0 : i32
      %dma_start3A_489 = tpu.memref_slice %arg3[%dma_start3A_488, %multiple_of3A_476] : memref<16x1000000xf32, #tpu.memory_space<hbm>> -> memref<16x128xf32, #tpu.memory_space<hbm>>
      tpu.enqueue_dma source(%dma_start3A_489 : memref<16x128xf32, #tpu.memory_space<hbm>>) target(%dma_start3A_487 : memref<16x128xf32, #tpu.memory_space<vmem>>) target_semaphore(%arg12 : memref<!tpu.dma_semaphore, #tpu.memory_space<semaphore_mem>>)
      %dma_start3A_490 = arith.constant 15 : i32
      %dma_start3A_491 = arith.constant 0 : i32
      %dma_start3A_492 = arith.constant 0 : i32
      %dma_start3A_493 = tpu.memref_slice %arg9[%dma_start3A_490, %dma_start3A_491, %dma_start3A_492] : memref<16x16x128xf32, #tpu.memory_space<vmem>> -> memref<1x16x128xf32, #tpu.memory_space<vmem>>
      %dma_start3A_494 = tpu.memref_squeeze %dma_start3A_493 : memref<1x16x128xf32, #tpu.memory_space<vmem>> -> memref<16x128xf32, #tpu.memory_space<vmem>>
      %dma_start3A_495 = arith.constant 0 : i32
      %dma_start3A_496 = tpu.memref_slice %arg4[%dma_start3A_495, %multiple_of3A_476] : memref<16x1000000xf32, #tpu.memory_space<hbm>> -> memref<16x128xf32, #tpu.memory_space<hbm>>
      %dma_start3A_497 = arith.constant 0 : i32
      %dma_start3A_498 = arith.constant 0 : i32
      %dma_start3A_499 = tpu.memref_slice %arg9[%dma_start3A_490, %dma_start3A_497, %dma_start3A_498] : memref<16x16x128xf32, #tpu.memory_space<vmem>> -> memref<1x16x128xf32, #tpu.memory_space<vmem>>
      %dma_start3A_500 = tpu.memref_squeeze %dma_start3A_499 : memref<1x16x128xf32, #tpu.memory_space<vmem>> -> memref<16x128xf32, #tpu.memory_space<vmem>>
      %dma_start3A_501 = arith.constant 0 : i32
      %dma_start3A_502 = tpu.memref_slice %arg4[%dma_start3A_501, %multiple_of3A_476] : memref<16x1000000xf32, #tpu.memory_space<hbm>> -> memref<16x128xf32, #tpu.memory_space<hbm>>
      tpu.enqueue_dma source(%dma_start3A_502 : memref<16x128xf32, #tpu.memory_space<hbm>>) target(%dma_start3A_500 : memref<16x128xf32, #tpu.memory_space<vmem>>) target_semaphore(%arg12 : memref<!tpu.dma_semaphore, #tpu.memory_space<semaphore_mem>>)
      %dma_wait3A = arith.constant 0 : i32
      %dma_wait3A_503 = arith.constant 0 : i32
      %dma_wait3A_504 = arith.constant 0 : i32
      %dma_wait3A_505 = tpu.memref_slice %arg8[%dma_wait3A, %dma_wait3A_503, %dma_wait3A_504] : memref<16x16x128xf32, #tpu.memory_space<vmem>> -> memref<1x16x128xf32, #tpu.memory_space<vmem>>
      %dma_wait3A_506 = tpu.memref_squeeze %dma_wait3A_505 : memref<1x16x128xf32, #tpu.memory_space<vmem>> -> memref<16x128xf32, #tpu.memory_space<vmem>>
      %dma_wait3A_507 = arith.constant 0 : i32
      %dma_wait3A_508 = tpu.memref_slice %arg3[%dma_wait3A_507, %multiple_of3A] : memref<16x1000000xf32, #tpu.memory_space<hbm>> -> memref<16x128xf32, #tpu.memory_space<hbm>>
      %dma_wait3A_509 = arith.constant 0 : i32
      %dma_wait3A_510 = arith.constant 0 : i32
      %dma_wait3A_511 = tpu.memref_slice %arg8[%dma_wait3A, %dma_wait3A_509, %dma_wait3A_510] : memref<16x16x128xf32, #tpu.memory_space<vmem>> -> memref<1x16x128xf32, #tpu.memory_space<vmem>>
      %dma_wait3A_512 = tpu.memref_squeeze %dma_wait3A_511 : memref<1x16x128xf32, #tpu.memory_space<vmem>> -> memref<16x128xf32, #tpu.memory_space<vmem>>
      %dma_wait3A_513 = arith.constant 0 : i32
      %dma_wait3A_514 = tpu.memref_slice %arg3[%dma_wait3A_513, %multiple_of3A] : memref<16x1000000xf32, #tpu.memory_space<hbm>> -> memref<16x128xf32, #tpu.memory_space<hbm>>
      tpu.wait_dma2 semaphore(%arg12 : memref<!tpu.dma_semaphore, #tpu.memory_space<semaphore_mem>>) src(%dma_wait3A_514 : memref<16x128xf32, #tpu.memory_space<hbm>>) dst(%dma_wait3A_512 : memref<16x128xf32, #tpu.memory_space<vmem>>)
      %dma_wait3A_515 = arith.constant 0 : i32
      %dma_wait3A_516 = arith.constant 0 : i32
      %dma_wait3A_517 = arith.constant 0 : i32
      %dma_wait3A_518 = tpu.memref_slice %arg9[%dma_wait3A_515, %dma_wait3A_516, %dma_wait3A_517] : memref<16x16x128xf32, #tpu.memory_space<vmem>> -> memref<1x16x128xf32, #tpu.memory_space<vmem>>
      %dma_wait3A_519 = tpu.memref_squeeze %dma_wait3A_518 : memref<1x16x128xf32, #tpu.memory_space<vmem>> -> memref<16x128xf32, #tpu.memory_space<vmem>>
      %dma_wait3A_520 = arith.constant 0 : i32
      %dma_wait3A_521 = tpu.memref_slice %arg4[%dma_wait3A_520, %multiple_of3A] : memref<16x1000000xf32, #tpu.memory_space<hbm>> -> memref<16x128xf32, #tpu.memory_space<hbm>>
      %dma_wait3A_522 = arith.constant 0 : i32
      %dma_wait3A_523 = arith.constant 0 : i32
      %dma_wait3A_524 = tpu.memref_slice %arg9[%dma_wait3A_515, %dma_wait3A_522, %dma_wait3A_523] : memref<16x16x128xf32, #tpu.memory_space<vmem>> -> memref<1x16x128xf32, #tpu.memory_space<vmem>>
      %dma_wait3A_525 = tpu.memref_squeeze %dma_wait3A_524 : memref<1x16x128xf32, #tpu.memory_space<vmem>> -> memref<16x128xf32, #tpu.memory_space<vmem>>
      %dma_wait3A_526 = arith.constant 0 : i32
      %dma_wait3A_527 = tpu.memref_slice %arg4[%dma_wait3A_526, %multiple_of3A] : memref<16x1000000xf32, #tpu.memory_space<hbm>> -> memref<16x128xf32, #tpu.memory_space<hbm>>
      tpu.wait_dma2 semaphore(%arg12 : memref<!tpu.dma_semaphore, #tpu.memory_space<semaphore_mem>>) src(%dma_wait3A_527 : memref<16x128xf32, #tpu.memory_space<hbm>>) dst(%dma_wait3A_525 : memref<16x128xf32, #tpu.memory_space<vmem>>)
      %dma_wait3A_528 = arith.constant 1 : i32
      %dma_wait3A_529 = arith.constant 0 : i32
      %dma_wait3A_530 = arith.constant 0 : i32
      %dma_wait3A_531 = tpu.memref_slice %arg8[%dma_wait3A_528, %dma_wait3A_529, %dma_wait3A_530] : memref<16x16x128xf32, #tpu.memory_space<vmem>> -> memref<1x16x128xf32, #tpu.memory_space<vmem>>
      %dma_wait3A_532 = tpu.memref_squeeze %dma_wait3A_531 : memref<1x16x128xf32, #tpu.memory_space<vmem>> -> memref<16x128xf32, #tpu.memory_space<vmem>>
      %dma_wait3A_533 = arith.constant 0 : i32
      %dma_wait3A_534 = tpu.memref_slice %arg3[%dma_wait3A_533, %multiple_of3A_42] : memref<16x1000000xf32, #tpu.memory_space<hbm>> -> memref<16x128xf32, #tpu.memory_space<hbm>>
      %dma_wait3A_535 = arith.constant 0 : i32
      %dma_wait3A_536 = arith.constant 0 : i32
      %dma_wait3A_537 = tpu.memref_slice %arg8[%dma_wait3A_528, %dma_wait3A_535, %dma_wait3A_536] : memref<16x16x128xf32, #tpu.memory_space<vmem>> -> memref<1x16x128xf32, #tpu.memory_space<vmem>>
      %dma_wait3A_538 = tpu.memref_squeeze %dma_wait3A_537 : memref<1x16x128xf32, #tpu.memory_space<vmem>> -> memref<16x128xf32, #tpu.memory_space<vmem>>
      %dma_wait3A_539 = arith.constant 0 : i32
      %dma_wait3A_540 = tpu.memref_slice %arg3[%dma_wait3A_539, %multiple_of3A_42] : memref<16x1000000xf32, #tpu.memory_space<hbm>> -> memref<16x128xf32, #tpu.memory_space<hbm>>
      tpu.wait_dma2 semaphore(%arg12 : memref<!tpu.dma_semaphore, #tpu.memory_space<semaphore_mem>>) src(%dma_wait3A_540 : memref<16x128xf32, #tpu.memory_space<hbm>>) dst(%dma_wait3A_538 : memref<16x128xf32, #tpu.memory_space<vmem>>)
      %dma_wait3A_541 = arith.constant 1 : i32
      %dma_wait3A_542 = arith.constant 0 : i32
      %dma_wait3A_543 = arith.constant 0 : i32
      %dma_wait3A_544 = tpu.memref_slice %arg9[%dma_wait3A_541, %dma_wait3A_542, %dma_wait3A_543] : memref<16x16x128xf32, #tpu.memory_space<vmem>> -> memref<1x16x128xf32, #tpu.memory_space<vmem>>
      %dma_wait3A_545 = tpu.memref_squeeze %dma_wait3A_544 : memref<1x16x128xf32, #tpu.memory_space<vmem>> -> memref<16x128xf32, #tpu.memory_space<vmem>>
      %dma_wait3A_546 = arith.constant 0 : i32
      %dma_wait3A_547 = tpu.memref_slice %arg4[%dma_wait3A_546, %multiple_of3A_42] : memref<16x1000000xf32, #tpu.memory_space<hbm>> -> memref<16x128xf32, #tpu.memory_space<hbm>>
      %dma_wait3A_548 = arith.constant 0 : i32
      %dma_wait3A_549 = arith.constant 0 : i32
      %dma_wait3A_550 = tpu.memref_slice %arg9[%dma_wait3A_541, %dma_wait3A_548, %dma_wait3A_549] : memref<16x16x128xf32, #tpu.memory_space<vmem>> -> memref<1x16x128xf32, #tpu.memory_space<vmem>>
      %dma_wait3A_551 = tpu.memref_squeeze %dma_wait3A_550 : memref<1x16x128xf32, #tpu.memory_space<vmem>> -> memref<16x128xf32, #tpu.memory_space<vmem>>
      %dma_wait3A_552 = arith.constant 0 : i32
      %dma_wait3A_553 = tpu.memref_slice %arg4[%dma_wait3A_552, %multiple_of3A_42] : memref<16x1000000xf32, #tpu.memory_space<hbm>> -> memref<16x128xf32, #tpu.memory_space<hbm>>
      tpu.wait_dma2 semaphore(%arg12 : memref<!tpu.dma_semaphore, #tpu.memory_space<semaphore_mem>>) src(%dma_wait3A_553 : memref<16x128xf32, #tpu.memory_space<hbm>>) dst(%dma_wait3A_551 : memref<16x128xf32, #tpu.memory_space<vmem>>)
      %dma_wait3A_554 = arith.constant 2 : i32
      %dma_wait3A_555 = arith.constant 0 : i32
      %dma_wait3A_556 = arith.constant 0 : i32
      %dma_wait3A_557 = tpu.memref_slice %arg8[%dma_wait3A_554, %dma_wait3A_555, %dma_wait3A_556] : memref<16x16x128xf32, #tpu.memory_space<vmem>> -> memref<1x16x128xf32, #tpu.memory_space<vmem>>
      %dma_wait3A_558 = tpu.memref_squeeze %dma_wait3A_557 : memref<1x16x128xf32, #tpu.memory_space<vmem>> -> memref<16x128xf32, #tpu.memory_space<vmem>>
      %dma_wait3A_559 = arith.constant 0 : i32
      %dma_wait3A_560 = tpu.memref_slice %arg3[%dma_wait3A_559, %multiple_of3A_73] : memref<16x1000000xf32, #tpu.memory_space<hbm>> -> memref<16x128xf32, #tpu.memory_space<hbm>>
      %dma_wait3A_561 = arith.constant 0 : i32
      %dma_wait3A_562 = arith.constant 0 : i32
      %dma_wait3A_563 = tpu.memref_slice %arg8[%dma_wait3A_554, %dma_wait3A_561, %dma_wait3A_562] : memref<16x16x128xf32, #tpu.memory_space<vmem>> -> memref<1x16x128xf32, #tpu.memory_space<vmem>>
      %dma_wait3A_564 = tpu.memref_squeeze %dma_wait3A_563 : memref<1x16x128xf32, #tpu.memory_space<vmem>> -> memref<16x128xf32, #tpu.memory_space<vmem>>
      %dma_wait3A_565 = arith.constant 0 : i32
      %dma_wait3A_566 = tpu.memref_slice %arg3[%dma_wait3A_565, %multiple_of3A_73] : memref<16x1000000xf32, #tpu.memory_space<hbm>> -> memref<16x128xf32, #tpu.memory_space<hbm>>
      tpu.wait_dma2 semaphore(%arg12 : memref<!tpu.dma_semaphore, #tpu.memory_space<semaphore_mem>>) src(%dma_wait3A_566 : memref<16x128xf32, #tpu.memory_space<hbm>>) dst(%dma_wait3A_564 : memref<16x128xf32, #tpu.memory_space<vmem>>)
      %dma_wait3A_567 = arith.constant 2 : i32
      %dma_wait3A_568 = arith.constant 0 : i32
      %dma_wait3A_569 = arith.constant 0 : i32
      %dma_wait3A_570 = tpu.memref_slice %arg9[%dma_wait3A_567, %dma_wait3A_568, %dma_wait3A_569] : memref<16x16x128xf32, #tpu.memory_space<vmem>> -> memref<1x16x128xf32, #tpu.memory_space<vmem>>
      %dma_wait3A_571 = tpu.memref_squeeze %dma_wait3A_570 : memref<1x16x128xf32, #tpu.memory_space<vmem>> -> memref<16x128xf32, #tpu.memory_space<vmem>>
      %dma_wait3A_572 = arith.constant 0 : i32
      %dma_wait3A_573 = tpu.memref_slice %arg4[%dma_wait3A_572, %multiple_of3A_73] : memref<16x1000000xf32, #tpu.memory_space<hbm>> -> memref<16x128xf32, #tpu.memory_space<hbm>>
      %dma_wait3A_574 = arith.constant 0 : i32
      %dma_wait3A_575 = arith.constant 0 : i32
      %dma_wait3A_576 = tpu.memref_slice %arg9[%dma_wait3A_567, %dma_wait3A_574, %dma_wait3A_575] : memref<16x16x128xf32, #tpu.memory_space<vmem>> -> memref<1x16x128xf32, #tpu.memory_space<vmem>>
      %dma_wait3A_577 = tpu.memref_squeeze %dma_wait3A_576 : memref<1x16x128xf32, #tpu.memory_space<vmem>> -> memref<16x128xf32, #tpu.memory_space<vmem>>
      %dma_wait3A_578 = arith.constant 0 : i32
      %dma_wait3A_579 = tpu.memref_slice %arg4[%dma_wait3A_578, %multiple_of3A_73] : memref<16x1000000xf32, #tpu.memory_space<hbm>> -> memref<16x128xf32, #tpu.memory_space<hbm>>
      tpu.wait_dma2 semaphore(%arg12 : memref<!tpu.dma_semaphore, #tpu.memory_space<semaphore_mem>>) src(%dma_wait3A_579 : memref<16x128xf32, #tpu.memory_space<hbm>>) dst(%dma_wait3A_577 : memref<16x128xf32, #tpu.memory_space<vmem>>)
      %dma_wait3A_580 = arith.constant 3 : i32
      %dma_wait3A_581 = arith.constant 0 : i32
      %dma_wait3A_582 = arith.constant 0 : i32
      %dma_wait3A_583 = tpu.memref_slice %arg8[%dma_wait3A_580, %dma_wait3A_581, %dma_wait3A_582] : memref<16x16x128xf32, #tpu.memory_space<vmem>> -> memref<1x16x128xf32, #tpu.memory_space<vmem>>
      %dma_wait3A_584 = tpu.memref_squeeze %dma_wait3A_583 : memref<1x16x128xf32, #tpu.memory_space<vmem>> -> memref<16x128xf32, #tpu.memory_space<vmem>>
      %dma_wait3A_585 = arith.constant 0 : i32
      %dma_wait3A_586 = tpu.memref_slice %arg3[%dma_wait3A_585, %multiple_of3A_104] : memref<16x1000000xf32, #tpu.memory_space<hbm>> -> memref<16x128xf32, #tpu.memory_space<hbm>>
      %dma_wait3A_587 = arith.constant 0 : i32
      %dma_wait3A_588 = arith.constant 0 : i32
      %dma_wait3A_589 = tpu.memref_slice %arg8[%dma_wait3A_580, %dma_wait3A_587, %dma_wait3A_588] : memref<16x16x128xf32, #tpu.memory_space<vmem>> -> memref<1x16x128xf32, #tpu.memory_space<vmem>>
      %dma_wait3A_590 = tpu.memref_squeeze %dma_wait3A_589 : memref<1x16x128xf32, #tpu.memory_space<vmem>> -> memref<16x128xf32, #tpu.memory_space<vmem>>
      %dma_wait3A_591 = arith.constant 0 : i32
      %dma_wait3A_592 = tpu.memref_slice %arg3[%dma_wait3A_591, %multiple_of3A_104] : memref<16x1000000xf32, #tpu.memory_space<hbm>> -> memref<16x128xf32, #tpu.memory_space<hbm>>
      tpu.wait_dma2 semaphore(%arg12 : memref<!tpu.dma_semaphore, #tpu.memory_space<semaphore_mem>>) src(%dma_wait3A_592 : memref<16x128xf32, #tpu.memory_space<hbm>>) dst(%dma_wait3A_590 : memref<16x128xf32, #tpu.memory_space<vmem>>)
      %dma_wait3A_593 = arith.constant 3 : i32
      %dma_wait3A_594 = arith.constant 0 : i32
      %dma_wait3A_595 = arith.constant 0 : i32
      %dma_wait3A_596 = tpu.memref_slice %arg9[%dma_wait3A_593, %dma_wait3A_594, %dma_wait3A_595] : memref<16x16x128xf32, #tpu.memory_space<vmem>> -> memref<1x16x128xf32, #tpu.memory_space<vmem>>
      %dma_wait3A_597 = tpu.memref_squeeze %dma_wait3A_596 : memref<1x16x128xf32, #tpu.memory_space<vmem>> -> memref<16x128xf32, #tpu.memory_space<vmem>>
      %dma_wait3A_598 = arith.constant 0 : i32
      %dma_wait3A_599 = tpu.memref_slice %arg4[%dma_wait3A_598, %multiple_of3A_104] : memref<16x1000000xf32, #tpu.memory_space<hbm>> -> memref<16x128xf32, #tpu.memory_space<hbm>>
      %dma_wait3A_600 = arith.constant 0 : i32
      %dma_wait3A_601 = arith.constant 0 : i32
      %dma_wait3A_602 = tpu.memref_slice %arg9[%dma_wait3A_593, %dma_wait3A_600, %dma_wait3A_601] : memref<16x16x128xf32, #tpu.memory_space<vmem>> -> memref<1x16x128xf32, #tpu.memory_space<vmem>>
      %dma_wait3A_603 = tpu.memref_squeeze %dma_wait3A_602 : memref<1x16x128xf32, #tpu.memory_space<vmem>> -> memref<16x128xf32, #tpu.memory_space<vmem>>
      %dma_wait3A_604 = arith.constant 0 : i32
      %dma_wait3A_605 = tpu.memref_slice %arg4[%dma_wait3A_604, %multiple_of3A_104] : memref<16x1000000xf32, #tpu.memory_space<hbm>> -> memref<16x128xf32, #tpu.memory_space<hbm>>
      tpu.wait_dma2 semaphore(%arg12 : memref<!tpu.dma_semaphore, #tpu.memory_space<semaphore_mem>>) src(%dma_wait3A_605 : memref<16x128xf32, #tpu.memory_space<hbm>>) dst(%dma_wait3A_603 : memref<16x128xf32, #tpu.memory_space<vmem>>)
      %dma_wait3A_606 = arith.constant 4 : i32
      %dma_wait3A_607 = arith.constant 0 : i32
      %dma_wait3A_608 = arith.constant 0 : i32
      %dma_wait3A_609 = tpu.memref_slice %arg8[%dma_wait3A_606, %dma_wait3A_607, %dma_wait3A_608] : memref<16x16x128xf32, #tpu.memory_space<vmem>> -> memref<1x16x128xf32, #tpu.memory_space<vmem>>
      %dma_wait3A_610 = tpu.memref_squeeze %dma_wait3A_609 : memref<1x16x128xf32, #tpu.memory_space<vmem>> -> memref<16x128xf32, #tpu.memory_space<vmem>>
      %dma_wait3A_611 = arith.constant 0 : i32
      %dma_wait3A_612 = tpu.memref_slice %arg3[%dma_wait3A_611, %multiple_of3A_135] : memref<16x1000000xf32, #tpu.memory_space<hbm>> -> memref<16x128xf32, #tpu.memory_space<hbm>>
      %dma_wait3A_613 = arith.constant 0 : i32
      %dma_wait3A_614 = arith.constant 0 : i32
      %dma_wait3A_615 = tpu.memref_slice %arg8[%dma_wait3A_606, %dma_wait3A_613, %dma_wait3A_614] : memref<16x16x128xf32, #tpu.memory_space<vmem>> -> memref<1x16x128xf32, #tpu.memory_space<vmem>>
      %dma_wait3A_616 = tpu.memref_squeeze %dma_wait3A_615 : memref<1x16x128xf32, #tpu.memory_space<vmem>> -> memref<16x128xf32, #tpu.memory_space<vmem>>
      %dma_wait3A_617 = arith.constant 0 : i32
      %dma_wait3A_618 = tpu.memref_slice %arg3[%dma_wait3A_617, %multiple_of3A_135] : memref<16x1000000xf32, #tpu.memory_space<hbm>> -> memref<16x128xf32, #tpu.memory_space<hbm>>
      tpu.wait_dma2 semaphore(%arg12 : memref<!tpu.dma_semaphore, #tpu.memory_space<semaphore_mem>>) src(%dma_wait3A_618 : memref<16x128xf32, #tpu.memory_space<hbm>>) dst(%dma_wait3A_616 : memref<16x128xf32, #tpu.memory_space<vmem>>)
      %dma_wait3A_619 = arith.constant 4 : i32
      %dma_wait3A_620 = arith.constant 0 : i32
      %dma_wait3A_621 = arith.constant 0 : i32
      %dma_wait3A_622 = tpu.memref_slice %arg9[%dma_wait3A_619, %dma_wait3A_620, %dma_wait3A_621] : memref<16x16x128xf32, #tpu.memory_space<vmem>> -> memref<1x16x128xf32, #tpu.memory_space<vmem>>
      %dma_wait3A_623 = tpu.memref_squeeze %dma_wait3A_622 : memref<1x16x128xf32, #tpu.memory_space<vmem>> -> memref<16x128xf32, #tpu.memory_space<vmem>>
      %dma_wait3A_624 = arith.constant 0 : i32
      %dma_wait3A_625 = tpu.memref_slice %arg4[%dma_wait3A_624, %multiple_of3A_135] : memref<16x1000000xf32, #tpu.memory_space<hbm>> -> memref<16x128xf32, #tpu.memory_space<hbm>>
      %dma_wait3A_626 = arith.constant 0 : i32
      %dma_wait3A_627 = arith.constant 0 : i32
      %dma_wait3A_628 = tpu.memref_slice %arg9[%dma_wait3A_619, %dma_wait3A_626, %dma_wait3A_627] : memref<16x16x128xf32, #tpu.memory_space<vmem>> -> memref<1x16x128xf32, #tpu.memory_space<vmem>>
      %dma_wait3A_629 = tpu.memref_squeeze %dma_wait3A_628 : memref<1x16x128xf32, #tpu.memory_space<vmem>> -> memref<16x128xf32, #tpu.memory_space<vmem>>
      %dma_wait3A_630 = arith.constant 0 : i32
      %dma_wait3A_631 = tpu.memref_slice %arg4[%dma_wait3A_630, %multiple_of3A_135] : memref<16x1000000xf32, #tpu.memory_space<hbm>> -> memref<16x128xf32, #tpu.memory_space<hbm>>
      tpu.wait_dma2 semaphore(%arg12 : memref<!tpu.dma_semaphore, #tpu.memory_space<semaphore_mem>>) src(%dma_wait3A_631 : memref<16x128xf32, #tpu.memory_space<hbm>>) dst(%dma_wait3A_629 : memref<16x128xf32, #tpu.memory_space<vmem>>)
      %dma_wait3A_632 = arith.constant 5 : i32
      %dma_wait3A_633 = arith.constant 0 : i32
      %dma_wait3A_634 = arith.constant 0 : i32
      %dma_wait3A_635 = tpu.memref_slice %arg8[%dma_wait3A_632, %dma_wait3A_633, %dma_wait3A_634] : memref<16x16x128xf32, #tpu.memory_space<vmem>> -> memref<1x16x128xf32, #tpu.memory_space<vmem>>
      %dma_wait3A_636 = tpu.memref_squeeze %dma_wait3A_635 : memref<1x16x128xf32, #tpu.memory_space<vmem>> -> memref<16x128xf32, #tpu.memory_space<vmem>>
      %dma_wait3A_637 = arith.constant 0 : i32
      %dma_wait3A_638 = tpu.memref_slice %arg3[%dma_wait3A_637, %multiple_of3A_166] : memref<16x1000000xf32, #tpu.memory_space<hbm>> -> memref<16x128xf32, #tpu.memory_space<hbm>>
      %dma_wait3A_639 = arith.constant 0 : i32
      %dma_wait3A_640 = arith.constant 0 : i32
      %dma_wait3A_641 = tpu.memref_slice %arg8[%dma_wait3A_632, %dma_wait3A_639, %dma_wait3A_640] : memref<16x16x128xf32, #tpu.memory_space<vmem>> -> memref<1x16x128xf32, #tpu.memory_space<vmem>>
      %dma_wait3A_642 = tpu.memref_squeeze %dma_wait3A_641 : memref<1x16x128xf32, #tpu.memory_space<vmem>> -> memref<16x128xf32, #tpu.memory_space<vmem>>
      %dma_wait3A_643 = arith.constant 0 : i32
      %dma_wait3A_644 = tpu.memref_slice %arg3[%dma_wait3A_643, %multiple_of3A_166] : memref<16x1000000xf32, #tpu.memory_space<hbm>> -> memref<16x128xf32, #tpu.memory_space<hbm>>
      tpu.wait_dma2 semaphore(%arg12 : memref<!tpu.dma_semaphore, #tpu.memory_space<semaphore_mem>>) src(%dma_wait3A_644 : memref<16x128xf32, #tpu.memory_space<hbm>>) dst(%dma_wait3A_642 : memref<16x128xf32, #tpu.memory_space<vmem>>)
      %dma_wait3A_645 = arith.constant 5 : i32
      %dma_wait3A_646 = arith.constant 0 : i32
      %dma_wait3A_647 = arith.constant 0 : i32
      %dma_wait3A_648 = tpu.memref_slice %arg9[%dma_wait3A_645, %dma_wait3A_646, %dma_wait3A_647] : memref<16x16x128xf32, #tpu.memory_space<vmem>> -> memref<1x16x128xf32, #tpu.memory_space<vmem>>
      %dma_wait3A_649 = tpu.memref_squeeze %dma_wait3A_648 : memref<1x16x128xf32, #tpu.memory_space<vmem>> -> memref<16x128xf32, #tpu.memory_space<vmem>>
      %dma_wait3A_650 = arith.constant 0 : i32
      %dma_wait3A_651 = tpu.memref_slice %arg4[%dma_wait3A_650, %multiple_of3A_166] : memref<16x1000000xf32, #tpu.memory_space<hbm>> -> memref<16x128xf32, #tpu.memory_space<hbm>>
      %dma_wait3A_652 = arith.constant 0 : i32
      %dma_wait3A_653 = arith.constant 0 : i32
      %dma_wait3A_654 = tpu.memref_slice %arg9[%dma_wait3A_645, %dma_wait3A_652, %dma_wait3A_653] : memref<16x16x128xf32, #tpu.memory_space<vmem>> -> memref<1x16x128xf32, #tpu.memory_space<vmem>>
      %dma_wait3A_655 = tpu.memref_squeeze %dma_wait3A_654 : memref<1x16x128xf32, #tpu.memory_space<vmem>> -> memref<16x128xf32, #tpu.memory_space<vmem>>
      %dma_wait3A_656 = arith.constant 0 : i32
      %dma_wait3A_657 = tpu.memref_slice %arg4[%dma_wait3A_656, %multiple_of3A_166] : memref<16x1000000xf32, #tpu.memory_space<hbm>> -> memref<16x128xf32, #tpu.memory_space<hbm>>
      tpu.wait_dma2 semaphore(%arg12 : memref<!tpu.dma_semaphore, #tpu.memory_space<semaphore_mem>>) src(%dma_wait3A_657 : memref<16x128xf32, #tpu.memory_space<hbm>>) dst(%dma_wait3A_655 : memref<16x128xf32, #tpu.memory_space<vmem>>)
      %dma_wait3A_658 = arith.constant 6 : i32
      %dma_wait3A_659 = arith.constant 0 : i32
      %dma_wait3A_660 = arith.constant 0 : i32
      %dma_wait3A_661 = tpu.memref_slice %arg8[%dma_wait3A_658, %dma_wait3A_659, %dma_wait3A_660] : memref<16x16x128xf32, #tpu.memory_space<vmem>> -> memref<1x16x128xf32, #tpu.memory_space<vmem>>
      %dma_wait3A_662 = tpu.memref_squeeze %dma_wait3A_661 : memref<1x16x128xf32, #tpu.memory_space<vmem>> -> memref<16x128xf32, #tpu.memory_space<vmem>>
      %dma_wait3A_663 = arith.constant 0 : i32
      %dma_wait3A_664 = tpu.memref_slice %arg3[%dma_wait3A_663, %multiple_of3A_197] : memref<16x1000000xf32, #tpu.memory_space<hbm>> -> memref<16x128xf32, #tpu.memory_space<hbm>>
      %dma_wait3A_665 = arith.constant 0 : i32
      %dma_wait3A_666 = arith.constant 0 : i32
      %dma_wait3A_667 = tpu.memref_slice %arg8[%dma_wait3A_658, %dma_wait3A_665, %dma_wait3A_666] : memref<16x16x128xf32, #tpu.memory_space<vmem>> -> memref<1x16x128xf32, #tpu.memory_space<vmem>>
      %dma_wait3A_668 = tpu.memref_squeeze %dma_wait3A_667 : memref<1x16x128xf32, #tpu.memory_space<vmem>> -> memref<16x128xf32, #tpu.memory_space<vmem>>
      %dma_wait3A_669 = arith.constant 0 : i32
      %dma_wait3A_670 = tpu.memref_slice %arg3[%dma_wait3A_669, %multiple_of3A_197] : memref<16x1000000xf32, #tpu.memory_space<hbm>> -> memref<16x128xf32, #tpu.memory_space<hbm>>
      tpu.wait_dma2 semaphore(%arg12 : memref<!tpu.dma_semaphore, #tpu.memory_space<semaphore_mem>>) src(%dma_wait3A_670 : memref<16x128xf32, #tpu.memory_space<hbm>>) dst(%dma_wait3A_668 : memref<16x128xf32, #tpu.memory_space<vmem>>)
      %dma_wait3A_671 = arith.constant 6 : i32
      %dma_wait3A_672 = arith.constant 0 : i32
      %dma_wait3A_673 = arith.constant 0 : i32
      %dma_wait3A_674 = tpu.memref_slice %arg9[%dma_wait3A_671, %dma_wait3A_672, %dma_wait3A_673] : memref<16x16x128xf32, #tpu.memory_space<vmem>> -> memref<1x16x128xf32, #tpu.memory_space<vmem>>
      %dma_wait3A_675 = tpu.memref_squeeze %dma_wait3A_674 : memref<1x16x128xf32, #tpu.memory_space<vmem>> -> memref<16x128xf32, #tpu.memory_space<vmem>>
      %dma_wait3A_676 = arith.constant 0 : i32
      %dma_wait3A_677 = tpu.memref_slice %arg4[%dma_wait3A_676, %multiple_of3A_197] : memref<16x1000000xf32, #tpu.memory_space<hbm>> -> memref<16x128xf32, #tpu.memory_space<hbm>>
      %dma_wait3A_678 = arith.constant 0 : i32
      %dma_wait3A_679 = arith.constant 0 : i32
      %dma_wait3A_680 = tpu.memref_slice %arg9[%dma_wait3A_671, %dma_wait3A_678, %dma_wait3A_679] : memref<16x16x128xf32, #tpu.memory_space<vmem>> -> memref<1x16x128xf32, #tpu.memory_space<vmem>>
      %dma_wait3A_681 = tpu.memref_squeeze %dma_wait3A_680 : memref<1x16x128xf32, #tpu.memory_space<vmem>> -> memref<16x128xf32, #tpu.memory_space<vmem>>
      %dma_wait3A_682 = arith.constant 0 : i32
      %dma_wait3A_683 = tpu.memref_slice %arg4[%dma_wait3A_682, %multiple_of3A_197] : memref<16x1000000xf32, #tpu.memory_space<hbm>> -> memref<16x128xf32, #tpu.memory_space<hbm>>
      tpu.wait_dma2 semaphore(%arg12 : memref<!tpu.dma_semaphore, #tpu.memory_space<semaphore_mem>>) src(%dma_wait3A_683 : memref<16x128xf32, #tpu.memory_space<hbm>>) dst(%dma_wait3A_681 : memref<16x128xf32, #tpu.memory_space<vmem>>)
      %dma_wait3A_684 = arith.constant 7 : i32
      %dma_wait3A_685 = arith.constant 0 : i32
      %dma_wait3A_686 = arith.constant 0 : i32
      %dma_wait3A_687 = tpu.memref_slice %arg8[%dma_wait3A_684, %dma_wait3A_685, %dma_wait3A_686] : memref<16x16x128xf32, #tpu.memory_space<vmem>> -> memref<1x16x128xf32, #tpu.memory_space<vmem>>
      %dma_wait3A_688 = tpu.memref_squeeze %dma_wait3A_687 : memref<1x16x128xf32, #tpu.memory_space<vmem>> -> memref<16x128xf32, #tpu.memory_space<vmem>>
      %dma_wait3A_689 = arith.constant 0 : i32
      %dma_wait3A_690 = tpu.memref_slice %arg3[%dma_wait3A_689, %multiple_of3A_228] : memref<16x1000000xf32, #tpu.memory_space<hbm>> -> memref<16x128xf32, #tpu.memory_space<hbm>>
      %dma_wait3A_691 = arith.constant 0 : i32
      %dma_wait3A_692 = arith.constant 0 : i32
      %dma_wait3A_693 = tpu.memref_slice %arg8[%dma_wait3A_684, %dma_wait3A_691, %dma_wait3A_692] : memref<16x16x128xf32, #tpu.memory_space<vmem>> -> memref<1x16x128xf32, #tpu.memory_space<vmem>>
      %dma_wait3A_694 = tpu.memref_squeeze %dma_wait3A_693 : memref<1x16x128xf32, #tpu.memory_space<vmem>> -> memref<16x128xf32, #tpu.memory_space<vmem>>
      %dma_wait3A_695 = arith.constant 0 : i32
      %dma_wait3A_696 = tpu.memref_slice %arg3[%dma_wait3A_695, %multiple_of3A_228] : memref<16x1000000xf32, #tpu.memory_space<hbm>> -> memref<16x128xf32, #tpu.memory_space<hbm>>
      tpu.wait_dma2 semaphore(%arg12 : memref<!tpu.dma_semaphore, #tpu.memory_space<semaphore_mem>>) src(%dma_wait3A_696 : memref<16x128xf32, #tpu.memory_space<hbm>>) dst(%dma_wait3A_694 : memref<16x128xf32, #tpu.memory_space<vmem>>)
      %dma_wait3A_697 = arith.constant 7 : i32
      %dma_wait3A_698 = arith.constant 0 : i32
      %dma_wait3A_699 = arith.constant 0 : i32
      %dma_wait3A_700 = tpu.memref_slice %arg9[%dma_wait3A_697, %dma_wait3A_698, %dma_wait3A_699] : memref<16x16x128xf32, #tpu.memory_space<vmem>> -> memref<1x16x128xf32, #tpu.memory_space<vmem>>
      %dma_wait3A_701 = tpu.memref_squeeze %dma_wait3A_700 : memref<1x16x128xf32, #tpu.memory_space<vmem>> -> memref<16x128xf32, #tpu.memory_space<vmem>>
      %dma_wait3A_702 = arith.constant 0 : i32
      %dma_wait3A_703 = tpu.memref_slice %arg4[%dma_wait3A_702, %multiple_of3A_228] : memref<16x1000000xf32, #tpu.memory_space<hbm>> -> memref<16x128xf32, #tpu.memory_space<hbm>>
      %dma_wait3A_704 = arith.constant 0 : i32
      %dma_wait3A_705 = arith.constant 0 : i32
      %dma_wait3A_706 = tpu.memref_slice %arg9[%dma_wait3A_697, %dma_wait3A_704, %dma_wait3A_705] : memref<16x16x128xf32, #tpu.memory_space<vmem>> -> memref<1x16x128xf32, #tpu.memory_space<vmem>>
      %dma_wait3A_707 = tpu.memref_squeeze %dma_wait3A_706 : memref<1x16x128xf32, #tpu.memory_space<vmem>> -> memref<16x128xf32, #tpu.memory_space<vmem>>
      %dma_wait3A_708 = arith.constant 0 : i32
      %dma_wait3A_709 = tpu.memref_slice %arg4[%dma_wait3A_708, %multiple_of3A_228] : memref<16x1000000xf32, #tpu.memory_space<hbm>> -> memref<16x128xf32, #tpu.memory_space<hbm>>
      tpu.wait_dma2 semaphore(%arg12 : memref<!tpu.dma_semaphore, #tpu.memory_space<semaphore_mem>>) src(%dma_wait3A_709 : memref<16x128xf32, #tpu.memory_space<hbm>>) dst(%dma_wait3A_707 : memref<16x128xf32, #tpu.memory_space<vmem>>)
      %dma_wait3A_710 = arith.constant 8 : i32
      %dma_wait3A_711 = arith.constant 0 : i32
      %dma_wait3A_712 = arith.constant 0 : i32
      %dma_wait3A_713 = tpu.memref_slice %arg8[%dma_wait3A_710, %dma_wait3A_711, %dma_wait3A_712] : memref<16x16x128xf32, #tpu.memory_space<vmem>> -> memref<1x16x128xf32, #tpu.memory_space<vmem>>
      %dma_wait3A_714 = tpu.memref_squeeze %dma_wait3A_713 : memref<1x16x128xf32, #tpu.memory_space<vmem>> -> memref<16x128xf32, #tpu.memory_space<vmem>>
      %dma_wait3A_715 = arith.constant 0 : i32
      %dma_wait3A_716 = tpu.memref_slice %arg3[%dma_wait3A_715, %multiple_of3A_259] : memref<16x1000000xf32, #tpu.memory_space<hbm>> -> memref<16x128xf32, #tpu.memory_space<hbm>>
      %dma_wait3A_717 = arith.constant 0 : i32
      %dma_wait3A_718 = arith.constant 0 : i32
      %dma_wait3A_719 = tpu.memref_slice %arg8[%dma_wait3A_710, %dma_wait3A_717, %dma_wait3A_718] : memref<16x16x128xf32, #tpu.memory_space<vmem>> -> memref<1x16x128xf32, #tpu.memory_space<vmem>>
      %dma_wait3A_720 = tpu.memref_squeeze %dma_wait3A_719 : memref<1x16x128xf32, #tpu.memory_space<vmem>> -> memref<16x128xf32, #tpu.memory_space<vmem>>
      %dma_wait3A_721 = arith.constant 0 : i32
      %dma_wait3A_722 = tpu.memref_slice %arg3[%dma_wait3A_721, %multiple_of3A_259] : memref<16x1000000xf32, #tpu.memory_space<hbm>> -> memref<16x128xf32, #tpu.memory_space<hbm>>
      tpu.wait_dma2 semaphore(%arg12 : memref<!tpu.dma_semaphore, #tpu.memory_space<semaphore_mem>>) src(%dma_wait3A_722 : memref<16x128xf32, #tpu.memory_space<hbm>>) dst(%dma_wait3A_720 : memref<16x128xf32, #tpu.memory_space<vmem>>)
      %dma_wait3A_723 = arith.constant 8 : i32
      %dma_wait3A_724 = arith.constant 0 : i32
      %dma_wait3A_725 = arith.constant 0 : i32
      %dma_wait3A_726 = tpu.memref_slice %arg9[%dma_wait3A_723, %dma_wait3A_724, %dma_wait3A_725] : memref<16x16x128xf32, #tpu.memory_space<vmem>> -> memref<1x16x128xf32, #tpu.memory_space<vmem>>
      %dma_wait3A_727 = tpu.memref_squeeze %dma_wait3A_726 : memref<1x16x128xf32, #tpu.memory_space<vmem>> -> memref<16x128xf32, #tpu.memory_space<vmem>>
      %dma_wait3A_728 = arith.constant 0 : i32
      %dma_wait3A_729 = tpu.memref_slice %arg4[%dma_wait3A_728, %multiple_of3A_259] : memref<16x1000000xf32, #tpu.memory_space<hbm>> -> memref<16x128xf32, #tpu.memory_space<hbm>>
      %dma_wait3A_730 = arith.constant 0 : i32
      %dma_wait3A_731 = arith.constant 0 : i32
      %dma_wait3A_732 = tpu.memref_slice %arg9[%dma_wait3A_723, %dma_wait3A_730, %dma_wait3A_731] : memref<16x16x128xf32, #tpu.memory_space<vmem>> -> memref<1x16x128xf32, #tpu.memory_space<vmem>>
      %dma_wait3A_733 = tpu.memref_squeeze %dma_wait3A_732 : memref<1x16x128xf32, #tpu.memory_space<vmem>> -> memref<16x128xf32, #tpu.memory_space<vmem>>
      %dma_wait3A_734 = arith.constant 0 : i32
      %dma_wait3A_735 = tpu.memref_slice %arg4[%dma_wait3A_734, %multiple_of3A_259] : memref<16x1000000xf32, #tpu.memory_space<hbm>> -> memref<16x128xf32, #tpu.memory_space<hbm>>
      tpu.wait_dma2 semaphore(%arg12 : memref<!tpu.dma_semaphore, #tpu.memory_space<semaphore_mem>>) src(%dma_wait3A_735 : memref<16x128xf32, #tpu.memory_space<hbm>>) dst(%dma_wait3A_733 : memref<16x128xf32, #tpu.memory_space<vmem>>)
      %dma_wait3A_736 = arith.constant 9 : i32
      %dma_wait3A_737 = arith.constant 0 : i32
      %dma_wait3A_738 = arith.constant 0 : i32
      %dma_wait3A_739 = tpu.memref_slice %arg8[%dma_wait3A_736, %dma_wait3A_737, %dma_wait3A_738] : memref<16x16x128xf32, #tpu.memory_space<vmem>> -> memref<1x16x128xf32, #tpu.memory_space<vmem>>
      %dma_wait3A_740 = tpu.memref_squeeze %dma_wait3A_739 : memref<1x16x128xf32, #tpu.memory_space<vmem>> -> memref<16x128xf32, #tpu.memory_space<vmem>>
      %dma_wait3A_741 = arith.constant 0 : i32
      %dma_wait3A_742 = tpu.memref_slice %arg3[%dma_wait3A_741, %multiple_of3A_290] : memref<16x1000000xf32, #tpu.memory_space<hbm>> -> memref<16x128xf32, #tpu.memory_space<hbm>>
      %dma_wait3A_743 = arith.constant 0 : i32
      %dma_wait3A_744 = arith.constant 0 : i32
      %dma_wait3A_745 = tpu.memref_slice %arg8[%dma_wait3A_736, %dma_wait3A_743, %dma_wait3A_744] : memref<16x16x128xf32, #tpu.memory_space<vmem>> -> memref<1x16x128xf32, #tpu.memory_space<vmem>>
      %dma_wait3A_746 = tpu.memref_squeeze %dma_wait3A_745 : memref<1x16x128xf32, #tpu.memory_space<vmem>> -> memref<16x128xf32, #tpu.memory_space<vmem>>
      %dma_wait3A_747 = arith.constant 0 : i32
      %dma_wait3A_748 = tpu.memref_slice %arg3[%dma_wait3A_747, %multiple_of3A_290] : memref<16x1000000xf32, #tpu.memory_space<hbm>> -> memref<16x128xf32, #tpu.memory_space<hbm>>
      tpu.wait_dma2 semaphore(%arg12 : memref<!tpu.dma_semaphore, #tpu.memory_space<semaphore_mem>>) src(%dma_wait3A_748 : memref<16x128xf32, #tpu.memory_space<hbm>>) dst(%dma_wait3A_746 : memref<16x128xf32, #tpu.memory_space<vmem>>)
      %dma_wait3A_749 = arith.constant 9 : i32
      %dma_wait3A_750 = arith.constant 0 : i32
      %dma_wait3A_751 = arith.constant 0 : i32
      %dma_wait3A_752 = tpu.memref_slice %arg9[%dma_wait3A_749, %dma_wait3A_750, %dma_wait3A_751] : memref<16x16x128xf32, #tpu.memory_space<vmem>> -> memref<1x16x128xf32, #tpu.memory_space<vmem>>
      %dma_wait3A_753 = tpu.memref_squeeze %dma_wait3A_752 : memref<1x16x128xf32, #tpu.memory_space<vmem>> -> memref<16x128xf32, #tpu.memory_space<vmem>>
      %dma_wait3A_754 = arith.constant 0 : i32
      %dma_wait3A_755 = tpu.memref_slice %arg4[%dma_wait3A_754, %multiple_of3A_290] : memref<16x1000000xf32, #tpu.memory_space<hbm>> -> memref<16x128xf32, #tpu.memory_space<hbm>>
      %dma_wait3A_756 = arith.constant 0 : i32
      %dma_wait3A_757 = arith.constant 0 : i32
      %dma_wait3A_758 = tpu.memref_slice %arg9[%dma_wait3A_749, %dma_wait3A_756, %dma_wait3A_757] : memref<16x16x128xf32, #tpu.memory_space<vmem>> -> memref<1x16x128xf32, #tpu.memory_space<vmem>>
      %dma_wait3A_759 = tpu.memref_squeeze %dma_wait3A_758 : memref<1x16x128xf32, #tpu.memory_space<vmem>> -> memref<16x128xf32, #tpu.memory_space<vmem>>
      %dma_wait3A_760 = arith.constant 0 : i32
      %dma_wait3A_761 = tpu.memref_slice %arg4[%dma_wait3A_760, %multiple_of3A_290] : memref<16x1000000xf32, #tpu.memory_space<hbm>> -> memref<16x128xf32, #tpu.memory_space<hbm>>
      tpu.wait_dma2 semaphore(%arg12 : memref<!tpu.dma_semaphore, #tpu.memory_space<semaphore_mem>>) src(%dma_wait3A_761 : memref<16x128xf32, #tpu.memory_space<hbm>>) dst(%dma_wait3A_759 : memref<16x128xf32, #tpu.memory_space<vmem>>)
      %dma_wait3A_762 = arith.constant 10 : i32
      %dma_wait3A_763 = arith.constant 0 : i32
      %dma_wait3A_764 = arith.constant 0 : i32
      %dma_wait3A_765 = tpu.memref_slice %arg8[%dma_wait3A_762, %dma_wait3A_763, %dma_wait3A_764] : memref<16x16x128xf32, #tpu.memory_space<vmem>> -> memref<1x16x128xf32, #tpu.memory_space<vmem>>
      %dma_wait3A_766 = tpu.memref_squeeze %dma_wait3A_765 : memref<1x16x128xf32, #tpu.memory_space<vmem>> -> memref<16x128xf32, #tpu.memory_space<vmem>>
      %dma_wait3A_767 = arith.constant 0 : i32
      %dma_wait3A_768 = tpu.memref_slice %arg3[%dma_wait3A_767, %multiple_of3A_321] : memref<16x1000000xf32, #tpu.memory_space<hbm>> -> memref<16x128xf32, #tpu.memory_space<hbm>>
      %dma_wait3A_769 = arith.constant 0 : i32
      %dma_wait3A_770 = arith.constant 0 : i32
      %dma_wait3A_771 = tpu.memref_slice %arg8[%dma_wait3A_762, %dma_wait3A_769, %dma_wait3A_770] : memref<16x16x128xf32, #tpu.memory_space<vmem>> -> memref<1x16x128xf32, #tpu.memory_space<vmem>>
      %dma_wait3A_772 = tpu.memref_squeeze %dma_wait3A_771 : memref<1x16x128xf32, #tpu.memory_space<vmem>> -> memref<16x128xf32, #tpu.memory_space<vmem>>
      %dma_wait3A_773 = arith.constant 0 : i32
      %dma_wait3A_774 = tpu.memref_slice %arg3[%dma_wait3A_773, %multiple_of3A_321] : memref<16x1000000xf32, #tpu.memory_space<hbm>> -> memref<16x128xf32, #tpu.memory_space<hbm>>
      tpu.wait_dma2 semaphore(%arg12 : memref<!tpu.dma_semaphore, #tpu.memory_space<semaphore_mem>>) src(%dma_wait3A_774 : memref<16x128xf32, #tpu.memory_space<hbm>>) dst(%dma_wait3A_772 : memref<16x128xf32, #tpu.memory_space<vmem>>)
      %dma_wait3A_775 = arith.constant 10 : i32
      %dma_wait3A_776 = arith.constant 0 : i32
      %dma_wait3A_777 = arith.constant 0 : i32
      %dma_wait3A_778 = tpu.memref_slice %arg9[%dma_wait3A_775, %dma_wait3A_776, %dma_wait3A_777] : memref<16x16x128xf32, #tpu.memory_space<vmem>> -> memref<1x16x128xf32, #tpu.memory_space<vmem>>
      %dma_wait3A_779 = tpu.memref_squeeze %dma_wait3A_778 : memref<1x16x128xf32, #tpu.memory_space<vmem>> -> memref<16x128xf32, #tpu.memory_space<vmem>>
      %dma_wait3A_780 = arith.constant 0 : i32
      %dma_wait3A_781 = tpu.memref_slice %arg4[%dma_wait3A_780, %multiple_of3A_321] : memref<16x1000000xf32, #tpu.memory_space<hbm>> -> memref<16x128xf32, #tpu.memory_space<hbm>>
      %dma_wait3A_782 = arith.constant 0 : i32
      %dma_wait3A_783 = arith.constant 0 : i32
      %dma_wait3A_784 = tpu.memref_slice %arg9[%dma_wait3A_775, %dma_wait3A_782, %dma_wait3A_783] : memref<16x16x128xf32, #tpu.memory_space<vmem>> -> memref<1x16x128xf32, #tpu.memory_space<vmem>>
      %dma_wait3A_785 = tpu.memref_squeeze %dma_wait3A_784 : memref<1x16x128xf32, #tpu.memory_space<vmem>> -> memref<16x128xf32, #tpu.memory_space<vmem>>
      %dma_wait3A_786 = arith.constant 0 : i32
      %dma_wait3A_787 = tpu.memref_slice %arg4[%dma_wait3A_786, %multiple_of3A_321] : memref<16x1000000xf32, #tpu.memory_space<hbm>> -> memref<16x128xf32, #tpu.memory_space<hbm>>
      tpu.wait_dma2 semaphore(%arg12 : memref<!tpu.dma_semaphore, #tpu.memory_space<semaphore_mem>>) src(%dma_wait3A_787 : memref<16x128xf32, #tpu.memory_space<hbm>>) dst(%dma_wait3A_785 : memref<16x128xf32, #tpu.memory_space<vmem>>)
      %dma_wait3A_788 = arith.constant 11 : i32
      %dma_wait3A_789 = arith.constant 0 : i32
      %dma_wait3A_790 = arith.constant 0 : i32
      %dma_wait3A_791 = tpu.memref_slice %arg8[%dma_wait3A_788, %dma_wait3A_789, %dma_wait3A_790] : memref<16x16x128xf32, #tpu.memory_space<vmem>> -> memref<1x16x128xf32, #tpu.memory_space<vmem>>
      %dma_wait3A_792 = tpu.memref_squeeze %dma_wait3A_791 : memref<1x16x128xf32, #tpu.memory_space<vmem>> -> memref<16x128xf32, #tpu.memory_space<vmem>>
      %dma_wait3A_793 = arith.constant 0 : i32
      %dma_wait3A_794 = tpu.memref_slice %arg3[%dma_wait3A_793, %multiple_of3A_352] : memref<16x1000000xf32, #tpu.memory_space<hbm>> -> memref<16x128xf32, #tpu.memory_space<hbm>>
      %dma_wait3A_795 = arith.constant 0 : i32
      %dma_wait3A_796 = arith.constant 0 : i32
      %dma_wait3A_797 = tpu.memref_slice %arg8[%dma_wait3A_788, %dma_wait3A_795, %dma_wait3A_796] : memref<16x16x128xf32, #tpu.memory_space<vmem>> -> memref<1x16x128xf32, #tpu.memory_space<vmem>>
      %dma_wait3A_798 = tpu.memref_squeeze %dma_wait3A_797 : memref<1x16x128xf32, #tpu.memory_space<vmem>> -> memref<16x128xf32, #tpu.memory_space<vmem>>
      %dma_wait3A_799 = arith.constant 0 : i32
      %dma_wait3A_800 = tpu.memref_slice %arg3[%dma_wait3A_799, %multiple_of3A_352] : memref<16x1000000xf32, #tpu.memory_space<hbm>> -> memref<16x128xf32, #tpu.memory_space<hbm>>
      tpu.wait_dma2 semaphore(%arg12 : memref<!tpu.dma_semaphore, #tpu.memory_space<semaphore_mem>>) src(%dma_wait3A_800 : memref<16x128xf32, #tpu.memory_space<hbm>>) dst(%dma_wait3A_798 : memref<16x128xf32, #tpu.memory_space<vmem>>)
      %dma_wait3A_801 = arith.constant 11 : i32
      %dma_wait3A_802 = arith.constant 0 : i32
      %dma_wait3A_803 = arith.constant 0 : i32
      %dma_wait3A_804 = tpu.memref_slice %arg9[%dma_wait3A_801, %dma_wait3A_802, %dma_wait3A_803] : memref<16x16x128xf32, #tpu.memory_space<vmem>> -> memref<1x16x128xf32, #tpu.memory_space<vmem>>
      %dma_wait3A_805 = tpu.memref_squeeze %dma_wait3A_804 : memref<1x16x128xf32, #tpu.memory_space<vmem>> -> memref<16x128xf32, #tpu.memory_space<vmem>>
      %dma_wait3A_806 = arith.constant 0 : i32
      %dma_wait3A_807 = tpu.memref_slice %arg4[%dma_wait3A_806, %multiple_of3A_352] : memref<16x1000000xf32, #tpu.memory_space<hbm>> -> memref<16x128xf32, #tpu.memory_space<hbm>>
      %dma_wait3A_808 = arith.constant 0 : i32
      %dma_wait3A_809 = arith.constant 0 : i32
      %dma_wait3A_810 = tpu.memref_slice %arg9[%dma_wait3A_801, %dma_wait3A_808, %dma_wait3A_809] : memref<16x16x128xf32, #tpu.memory_space<vmem>> -> memref<1x16x128xf32, #tpu.memory_space<vmem>>
      %dma_wait3A_811 = tpu.memref_squeeze %dma_wait3A_810 : memref<1x16x128xf32, #tpu.memory_space<vmem>> -> memref<16x128xf32, #tpu.memory_space<vmem>>
      %dma_wait3A_812 = arith.constant 0 : i32
      %dma_wait3A_813 = tpu.memref_slice %arg4[%dma_wait3A_812, %multiple_of3A_352] : memref<16x1000000xf32, #tpu.memory_space<hbm>> -> memref<16x128xf32, #tpu.memory_space<hbm>>
      tpu.wait_dma2 semaphore(%arg12 : memref<!tpu.dma_semaphore, #tpu.memory_space<semaphore_mem>>) src(%dma_wait3A_813 : memref<16x128xf32, #tpu.memory_space<hbm>>) dst(%dma_wait3A_811 : memref<16x128xf32, #tpu.memory_space<vmem>>)
      %dma_wait3A_814 = arith.constant 12 : i32
      %dma_wait3A_815 = arith.constant 0 : i32
      %dma_wait3A_816 = arith.constant 0 : i32
      %dma_wait3A_817 = tpu.memref_slice %arg8[%dma_wait3A_814, %dma_wait3A_815, %dma_wait3A_816] : memref<16x16x128xf32, #tpu.memory_space<vmem>> -> memref<1x16x128xf32, #tpu.memory_space<vmem>>
      %dma_wait3A_818 = tpu.memref_squeeze %dma_wait3A_817 : memref<1x16x128xf32, #tpu.memory_space<vmem>> -> memref<16x128xf32, #tpu.memory_space<vmem>>
      %dma_wait3A_819 = arith.constant 0 : i32
      %dma_wait3A_820 = tpu.memref_slice %arg3[%dma_wait3A_819, %multiple_of3A_383] : memref<16x1000000xf32, #tpu.memory_space<hbm>> -> memref<16x128xf32, #tpu.memory_space<hbm>>
      %dma_wait3A_821 = arith.constant 0 : i32
      %dma_wait3A_822 = arith.constant 0 : i32
      %dma_wait3A_823 = tpu.memref_slice %arg8[%dma_wait3A_814, %dma_wait3A_821, %dma_wait3A_822] : memref<16x16x128xf32, #tpu.memory_space<vmem>> -> memref<1x16x128xf32, #tpu.memory_space<vmem>>
      %dma_wait3A_824 = tpu.memref_squeeze %dma_wait3A_823 : memref<1x16x128xf32, #tpu.memory_space<vmem>> -> memref<16x128xf32, #tpu.memory_space<vmem>>
      %dma_wait3A_825 = arith.constant 0 : i32
      %dma_wait3A_826 = tpu.memref_slice %arg3[%dma_wait3A_825, %multiple_of3A_383] : memref<16x1000000xf32, #tpu.memory_space<hbm>> -> memref<16x128xf32, #tpu.memory_space<hbm>>
      tpu.wait_dma2 semaphore(%arg12 : memref<!tpu.dma_semaphore, #tpu.memory_space<semaphore_mem>>) src(%dma_wait3A_826 : memref<16x128xf32, #tpu.memory_space<hbm>>) dst(%dma_wait3A_824 : memref<16x128xf32, #tpu.memory_space<vmem>>)
      %dma_wait3A_827 = arith.constant 12 : i32
      %dma_wait3A_828 = arith.constant 0 : i32
      %dma_wait3A_829 = arith.constant 0 : i32
      %dma_wait3A_830 = tpu.memref_slice %arg9[%dma_wait3A_827, %dma_wait3A_828, %dma_wait3A_829] : memref<16x16x128xf32, #tpu.memory_space<vmem>> -> memref<1x16x128xf32, #tpu.memory_space<vmem>>
      %dma_wait3A_831 = tpu.memref_squeeze %dma_wait3A_830 : memref<1x16x128xf32, #tpu.memory_space<vmem>> -> memref<16x128xf32, #tpu.memory_space<vmem>>
      %dma_wait3A_832 = arith.constant 0 : i32
      %dma_wait3A_833 = tpu.memref_slice %arg4[%dma_wait3A_832, %multiple_of3A_383] : memref<16x1000000xf32, #tpu.memory_space<hbm>> -> memref<16x128xf32, #tpu.memory_space<hbm>>
      %dma_wait3A_834 = arith.constant 0 : i32
      %dma_wait3A_835 = arith.constant 0 : i32
      %dma_wait3A_836 = tpu.memref_slice %arg9[%dma_wait3A_827, %dma_wait3A_834, %dma_wait3A_835] : memref<16x16x128xf32, #tpu.memory_space<vmem>> -> memref<1x16x128xf32, #tpu.memory_space<vmem>>
      %dma_wait3A_837 = tpu.memref_squeeze %dma_wait3A_836 : memref<1x16x128xf32, #tpu.memory_space<vmem>> -> memref<16x128xf32, #tpu.memory_space<vmem>>
      %dma_wait3A_838 = arith.constant 0 : i32
      %dma_wait3A_839 = tpu.memref_slice %arg4[%dma_wait3A_838, %multiple_of3A_383] : memref<16x1000000xf32, #tpu.memory_space<hbm>> -> memref<16x128xf32, #tpu.memory_space<hbm>>
      tpu.wait_dma2 semaphore(%arg12 : memref<!tpu.dma_semaphore, #tpu.memory_space<semaphore_mem>>) src(%dma_wait3A_839 : memref<16x128xf32, #tpu.memory_space<hbm>>) dst(%dma_wait3A_837 : memref<16x128xf32, #tpu.memory_space<vmem>>)
      %dma_wait3A_840 = arith.constant 13 : i32
      %dma_wait3A_841 = arith.constant 0 : i32
      %dma_wait3A_842 = arith.constant 0 : i32
      %dma_wait3A_843 = tpu.memref_slice %arg8[%dma_wait3A_840, %dma_wait3A_841, %dma_wait3A_842] : memref<16x16x128xf32, #tpu.memory_space<vmem>> -> memref<1x16x128xf32, #tpu.memory_space<vmem>>
      %dma_wait3A_844 = tpu.memref_squeeze %dma_wait3A_843 : memref<1x16x128xf32, #tpu.memory_space<vmem>> -> memref<16x128xf32, #tpu.memory_space<vmem>>
      %dma_wait3A_845 = arith.constant 0 : i32
      %dma_wait3A_846 = tpu.memref_slice %arg3[%dma_wait3A_845, %multiple_of3A_414] : memref<16x1000000xf32, #tpu.memory_space<hbm>> -> memref<16x128xf32, #tpu.memory_space<hbm>>
      %dma_wait3A_847 = arith.constant 0 : i32
      %dma_wait3A_848 = arith.constant 0 : i32
      %dma_wait3A_849 = tpu.memref_slice %arg8[%dma_wait3A_840, %dma_wait3A_847, %dma_wait3A_848] : memref<16x16x128xf32, #tpu.memory_space<vmem>> -> memref<1x16x128xf32, #tpu.memory_space<vmem>>
      %dma_wait3A_850 = tpu.memref_squeeze %dma_wait3A_849 : memref<1x16x128xf32, #tpu.memory_space<vmem>> -> memref<16x128xf32, #tpu.memory_space<vmem>>
      %dma_wait3A_851 = arith.constant 0 : i32
      %dma_wait3A_852 = tpu.memref_slice %arg3[%dma_wait3A_851, %multiple_of3A_414] : memref<16x1000000xf32, #tpu.memory_space<hbm>> -> memref<16x128xf32, #tpu.memory_space<hbm>>
      tpu.wait_dma2 semaphore(%arg12 : memref<!tpu.dma_semaphore, #tpu.memory_space<semaphore_mem>>) src(%dma_wait3A_852 : memref<16x128xf32, #tpu.memory_space<hbm>>) dst(%dma_wait3A_850 : memref<16x128xf32, #tpu.memory_space<vmem>>)
      %dma_wait3A_853 = arith.constant 13 : i32
      %dma_wait3A_854 = arith.constant 0 : i32
      %dma_wait3A_855 = arith.constant 0 : i32
      %dma_wait3A_856 = tpu.memref_slice %arg9[%dma_wait3A_853, %dma_wait3A_854, %dma_wait3A_855] : memref<16x16x128xf32, #tpu.memory_space<vmem>> -> memref<1x16x128xf32, #tpu.memory_space<vmem>>
      %dma_wait3A_857 = tpu.memref_squeeze %dma_wait3A_856 : memref<1x16x128xf32, #tpu.memory_space<vmem>> -> memref<16x128xf32, #tpu.memory_space<vmem>>
      %dma_wait3A_858 = arith.constant 0 : i32
      %dma_wait3A_859 = tpu.memref_slice %arg4[%dma_wait3A_858, %multiple_of3A_414] : memref<16x1000000xf32, #tpu.memory_space<hbm>> -> memref<16x128xf32, #tpu.memory_space<hbm>>
      %dma_wait3A_860 = arith.constant 0 : i32
      %dma_wait3A_861 = arith.constant 0 : i32
      %dma_wait3A_862 = tpu.memref_slice %arg9[%dma_wait3A_853, %dma_wait3A_860, %dma_wait3A_861] : memref<16x16x128xf32, #tpu.memory_space<vmem>> -> memref<1x16x128xf32, #tpu.memory_space<vmem>>
      %dma_wait3A_863 = tpu.memref_squeeze %dma_wait3A_862 : memref<1x16x128xf32, #tpu.memory_space<vmem>> -> memref<16x128xf32, #tpu.memory_space<vmem>>
      %dma_wait3A_864 = arith.constant 0 : i32
      %dma_wait3A_865 = tpu.memref_slice %arg4[%dma_wait3A_864, %multiple_of3A_414] : memref<16x1000000xf32, #tpu.memory_space<hbm>> -> memref<16x128xf32, #tpu.memory_space<hbm>>
      tpu.wait_dma2 semaphore(%arg12 : memref<!tpu.dma_semaphore, #tpu.memory_space<semaphore_mem>>) src(%dma_wait3A_865 : memref<16x128xf32, #tpu.memory_space<hbm>>) dst(%dma_wait3A_863 : memref<16x128xf32, #tpu.memory_space<vmem>>)
      %dma_wait3A_866 = arith.constant 14 : i32
      %dma_wait3A_867 = arith.constant 0 : i32
      %dma_wait3A_868 = arith.constant 0 : i32
      %dma_wait3A_869 = tpu.memref_slice %arg8[%dma_wait3A_866, %dma_wait3A_867, %dma_wait3A_868] : memref<16x16x128xf32, #tpu.memory_space<vmem>> -> memref<1x16x128xf32, #tpu.memory_space<vmem>>
      %dma_wait3A_870 = tpu.memref_squeeze %dma_wait3A_869 : memref<1x16x128xf32, #tpu.memory_space<vmem>> -> memref<16x128xf32, #tpu.memory_space<vmem>>
      %dma_wait3A_871 = arith.constant 0 : i32
      %dma_wait3A_872 = tpu.memref_slice %arg3[%dma_wait3A_871, %multiple_of3A_445] : memref<16x1000000xf32, #tpu.memory_space<hbm>> -> memref<16x128xf32, #tpu.memory_space<hbm>>
      %dma_wait3A_873 = arith.constant 0 : i32
      %dma_wait3A_874 = arith.constant 0 : i32
      %dma_wait3A_875 = tpu.memref_slice %arg8[%dma_wait3A_866, %dma_wait3A_873, %dma_wait3A_874] : memref<16x16x128xf32, #tpu.memory_space<vmem>> -> memref<1x16x128xf32, #tpu.memory_space<vmem>>
      %dma_wait3A_876 = tpu.memref_squeeze %dma_wait3A_875 : memref<1x16x128xf32, #tpu.memory_space<vmem>> -> memref<16x128xf32, #tpu.memory_space<vmem>>
      %dma_wait3A_877 = arith.constant 0 : i32
      %dma_wait3A_878 = tpu.memref_slice %arg3[%dma_wait3A_877, %multiple_of3A_445] : memref<16x1000000xf32, #tpu.memory_space<hbm>> -> memref<16x128xf32, #tpu.memory_space<hbm>>
      tpu.wait_dma2 semaphore(%arg12 : memref<!tpu.dma_semaphore, #tpu.memory_space<semaphore_mem>>) src(%dma_wait3A_878 : memref<16x128xf32, #tpu.memory_space<hbm>>) dst(%dma_wait3A_876 : memref<16x128xf32, #tpu.memory_space<vmem>>)
      %dma_wait3A_879 = arith.constant 14 : i32
      %dma_wait3A_880 = arith.constant 0 : i32
      %dma_wait3A_881 = arith.constant 0 : i32
      %dma_wait3A_882 = tpu.memref_slice %arg9[%dma_wait3A_879, %dma_wait3A_880, %dma_wait3A_881] : memref<16x16x128xf32, #tpu.memory_space<vmem>> -> memref<1x16x128xf32, #tpu.memory_space<vmem>>
      %dma_wait3A_883 = tpu.memref_squeeze %dma_wait3A_882 : memref<1x16x128xf32, #tpu.memory_space<vmem>> -> memref<16x128xf32, #tpu.memory_space<vmem>>
      %dma_wait3A_884 = arith.constant 0 : i32
      %dma_wait3A_885 = tpu.memref_slice %arg4[%dma_wait3A_884, %multiple_of3A_445] : memref<16x1000000xf32, #tpu.memory_space<hbm>> -> memref<16x128xf32, #tpu.memory_space<hbm>>
      %dma_wait3A_886 = arith.constant 0 : i32
      %dma_wait3A_887 = arith.constant 0 : i32
      %dma_wait3A_888 = tpu.memref_slice %arg9[%dma_wait3A_879, %dma_wait3A_886, %dma_wait3A_887] : memref<16x16x128xf32, #tpu.memory_space<vmem>> -> memref<1x16x128xf32, #tpu.memory_space<vmem>>
      %dma_wait3A_889 = tpu.memref_squeeze %dma_wait3A_888 : memref<1x16x128xf32, #tpu.memory_space<vmem>> -> memref<16x128xf32, #tpu.memory_space<vmem>>
      %dma_wait3A_890 = arith.constant 0 : i32
      %dma_wait3A_891 = tpu.memref_slice %arg4[%dma_wait3A_890, %multiple_of3A_445] : memref<16x1000000xf32, #tpu.memory_space<hbm>> -> memref<16x128xf32, #tpu.memory_space<hbm>>
      tpu.wait_dma2 semaphore(%arg12 : memref<!tpu.dma_semaphore, #tpu.memory_space<semaphore_mem>>) src(%dma_wait3A_891 : memref<16x128xf32, #tpu.memory_space<hbm>>) dst(%dma_wait3A_889 : memref<16x128xf32, #tpu.memory_space<vmem>>)
      %dma_wait3A_892 = arith.constant 15 : i32
      %dma_wait3A_893 = arith.constant 0 : i32
      %dma_wait3A_894 = arith.constant 0 : i32
      %dma_wait3A_895 = tpu.memref_slice %arg8[%dma_wait3A_892, %dma_wait3A_893, %dma_wait3A_894] : memref<16x16x128xf32, #tpu.memory_space<vmem>> -> memref<1x16x128xf32, #tpu.memory_space<vmem>>
      %dma_wait3A_896 = tpu.memref_squeeze %dma_wait3A_895 : memref<1x16x128xf32, #tpu.memory_space<vmem>> -> memref<16x128xf32, #tpu.memory_space<vmem>>
      %dma_wait3A_897 = arith.constant 0 : i32
      %dma_wait3A_898 = tpu.memref_slice %arg3[%dma_wait3A_897, %multiple_of3A_476] : memref<16x1000000xf32, #tpu.memory_space<hbm>> -> memref<16x128xf32, #tpu.memory_space<hbm>>
      %dma_wait3A_899 = arith.constant 0 : i32
      %dma_wait3A_900 = arith.constant 0 : i32
      %dma_wait3A_901 = tpu.memref_slice %arg8[%dma_wait3A_892, %dma_wait3A_899, %dma_wait3A_900] : memref<16x16x128xf32, #tpu.memory_space<vmem>> -> memref<1x16x128xf32, #tpu.memory_space<vmem>>
      %dma_wait3A_902 = tpu.memref_squeeze %dma_wait3A_901 : memref<1x16x128xf32, #tpu.memory_space<vmem>> -> memref<16x128xf32, #tpu.memory_space<vmem>>
      %dma_wait3A_903 = arith.constant 0 : i32
      %dma_wait3A_904 = tpu.memref_slice %arg3[%dma_wait3A_903, %multiple_of3A_476] : memref<16x1000000xf32, #tpu.memory_space<hbm>> -> memref<16x128xf32, #tpu.memory_space<hbm>>
      tpu.wait_dma2 semaphore(%arg12 : memref<!tpu.dma_semaphore, #tpu.memory_space<semaphore_mem>>) src(%dma_wait3A_904 : memref<16x128xf32, #tpu.memory_space<hbm>>) dst(%dma_wait3A_902 : memref<16x128xf32, #tpu.memory_space<vmem>>)
      %dma_wait3A_905 = arith.constant 15 : i32
      %dma_wait3A_906 = arith.constant 0 : i32
      %dma_wait3A_907 = arith.constant 0 : i32
      %dma_wait3A_908 = tpu.memref_slice %arg9[%dma_wait3A_905, %dma_wait3A_906, %dma_wait3A_907] : memref<16x16x128xf32, #tpu.memory_space<vmem>> -> memref<1x16x128xf32, #tpu.memory_space<vmem>>
      %dma_wait3A_909 = tpu.memref_squeeze %dma_wait3A_908 : memref<1x16x128xf32, #tpu.memory_space<vmem>> -> memref<16x128xf32, #tpu.memory_space<vmem>>
      %dma_wait3A_910 = arith.constant 0 : i32
      %dma_wait3A_911 = tpu.memref_slice %arg4[%dma_wait3A_910, %multiple_of3A_476] : memref<16x1000000xf32, #tpu.memory_space<hbm>> -> memref<16x128xf32, #tpu.memory_space<hbm>>
      %dma_wait3A_912 = arith.constant 0 : i32
      %dma_wait3A_913 = arith.constant 0 : i32
      %dma_wait3A_914 = tpu.memref_slice %arg9[%dma_wait3A_905, %dma_wait3A_912, %dma_wait3A_913] : memref<16x16x128xf32, #tpu.memory_space<vmem>> -> memref<1x16x128xf32, #tpu.memory_space<vmem>>
      %dma_wait3A_915 = tpu.memref_squeeze %dma_wait3A_914 : memref<1x16x128xf32, #tpu.memory_space<vmem>> -> memref<16x128xf32, #tpu.memory_space<vmem>>
      %dma_wait3A_916 = arith.constant 0 : i32
      %dma_wait3A_917 = tpu.memref_slice %arg4[%dma_wait3A_916, %multiple_of3A_476] : memref<16x1000000xf32, #tpu.memory_space<hbm>> -> memref<16x128xf32, #tpu.memory_space<hbm>>
      tpu.wait_dma2 semaphore(%arg12 : memref<!tpu.dma_semaphore, #tpu.memory_space<semaphore_mem>>) src(%dma_wait3A_917 : memref<16x128xf32, #tpu.memory_space<hbm>>) dst(%dma_wait3A_915 : memref<16x128xf32, #tpu.memory_space<vmem>>)
      %mul3A_918 = arith.constant 16 : i32
      %mul3A_919 = arith.muli %scan3A_8, %mul3A_918 : i32
      %add3A_920 = arith.constant 0 : i32
      %add3A_921 = arith.addi %mul3A_919, %add3A_920 : i32
      %broadcast_in_dim3A = vector.broadcast %add3A_921 : i32 to vector<16xi32>
      %broadcast_in_dim3A_922 = arith.constant 0 : i32
      %broadcast_in_dim3A_923 = vector.broadcast %broadcast_in_dim3A_922 : i32 to vector<16xi32>
      %and3A_924 = arith.constant 127 : i32
      %and3A_925 = arith.andi %squeeze3A, %and3A_924 : i32
      %broadcast_in_dim3A_926 = vector.broadcast %and3A_925 : i32 to vector<16xi32>
      %gather3A = tpu.vector_load_idx %arg8[%broadcast_in_dim3A_923, %iota3A, %broadcast_in_dim3A_926] : memref<16x16x128xf32, #tpu.memory_space<vmem>>[vector<16xi32>, vector<16xi32>, vector<16xi32>], vector<16xf32>,
      tpu.vector_store_idx %arg10[%iota3A, %broadcast_in_dim3A], %gather3A : memref<16x512xf32, #tpu.memory_space<vmem>>[vector<16xi32>, vector<16xi32>], vector<16xf32>,
      %gather3A_927 = tpu.vector_load_idx %arg9[%broadcast_in_dim3A_923, %iota3A, %broadcast_in_dim3A_926] : memref<16x16x128xf32, #tpu.memory_space<vmem>>[vector<16xi32>, vector<16xi32>, vector<16xi32>], vector<16xf32>,
      tpu.vector_store_idx %arg11[%iota3A, %broadcast_in_dim3A], %gather3A_927 : memref<16x512xf32, #tpu.memory_space<vmem>>[vector<16xi32>, vector<16xi32>], vector<16xf32>,
      %mul3A_928 = arith.constant 16 : i32
      %mul3A_929 = arith.muli %scan3A_8, %mul3A_928 : i32
      %add3A_930 = arith.constant 1 : i32
      %add3A_931 = arith.addi %mul3A_929, %add3A_930 : i32
      %broadcast_in_dim3A_932 = vector.broadcast %add3A_931 : i32 to vector<16xi32>
      %broadcast_in_dim3A_933 = arith.constant 1 : i32
      %broadcast_in_dim3A_934 = vector.broadcast %broadcast_in_dim3A_933 : i32 to vector<16xi32>
      %and3A_935 = arith.constant 127 : i32
      %and3A_936 = arith.andi %squeeze3A_39, %and3A_935 : i32
      %broadcast_in_dim3A_937 = vector.broadcast %and3A_936 : i32 to vector<16xi32>
      %gather3A_938 = tpu.vector_load_idx %arg8[%broadcast_in_dim3A_934, %iota3A, %broadcast_in_dim3A_937] : memref<16x16x128xf32, #tpu.memory_space<vmem>>[vector<16xi32>, vector<16xi32>, vector<16xi32>], vector<16xf32>,
      tpu.vector_store_idx %arg10[%iota3A, %broadcast_in_dim3A_932], %gather3A_938 : memref<16x512xf32, #tpu.memory_space<vmem>>[vector<16xi32>, vector<16xi32>], vector<16xf32>,
      %gather3A_939 = tpu.vector_load_idx %arg9[%broadcast_in_dim3A_934, %iota3A, %broadcast_in_dim3A_937] : memref<16x16x128xf32, #tpu.memory_space<vmem>>[vector<16xi32>, vector<16xi32>, vector<16xi32>], vector<16xf32>,
      tpu.vector_store_idx %arg11[%iota3A, %broadcast_in_dim3A_932], %gather3A_939 : memref<16x512xf32, #tpu.memory_space<vmem>>[vector<16xi32>, vector<16xi32>], vector<16xf32>,
      %mul3A_940 = arith.constant 16 : i32
      %mul3A_941 = arith.muli %scan3A_8, %mul3A_940 : i32
      %add3A_942 = arith.constant 2 : i32
      %add3A_943 = arith.addi %mul3A_941, %add3A_942 : i32
      %broadcast_in_dim3A_944 = vector.broadcast %add3A_943 : i32 to vector<16xi32>
      %broadcast_in_dim3A_945 = arith.constant 2 : i32
      %broadcast_in_dim3A_946 = vector.broadcast %broadcast_in_dim3A_945 : i32 to vector<16xi32>
      %and3A_947 = arith.constant 127 : i32
      %and3A_948 = arith.andi %squeeze3A_70, %and3A_947 : i32
      %broadcast_in_dim3A_949 = vector.broadcast %and3A_948 : i32 to vector<16xi32>
      %gather3A_950 = tpu.vector_load_idx %arg8[%broadcast_in_dim3A_946, %iota3A, %broadcast_in_dim3A_949] : memref<16x16x128xf32, #tpu.memory_space<vmem>>[vector<16xi32>, vector<16xi32>, vector<16xi32>], vector<16xf32>,
      tpu.vector_store_idx %arg10[%iota3A, %broadcast_in_dim3A_944], %gather3A_950 : memref<16x512xf32, #tpu.memory_space<vmem>>[vector<16xi32>, vector<16xi32>], vector<16xf32>,
      %gather3A_951 = tpu.vector_load_idx %arg9[%broadcast_in_dim3A_946, %iota3A, %broadcast_in_dim3A_949] : memref<16x16x128xf32, #tpu.memory_space<vmem>>[vector<16xi32>, vector<16xi32>, vector<16xi32>], vector<16xf32>,
      tpu.vector_store_idx %arg11[%iota3A, %broadcast_in_dim3A_944], %gather3A_951 : memref<16x512xf32, #tpu.memory_space<vmem>>[vector<16xi32>, vector<16xi32>], vector<16xf32>,
      %mul3A_952 = arith.constant 16 : i32
      %mul3A_953 = arith.muli %scan3A_8, %mul3A_952 : i32
      %add3A_954 = arith.constant 3 : i32
      %add3A_955 = arith.addi %mul3A_953, %add3A_954 : i32
      %broadcast_in_dim3A_956 = vector.broadcast %add3A_955 : i32 to vector<16xi32>
      %broadcast_in_dim3A_957 = arith.constant 3 : i32
      %broadcast_in_dim3A_958 = vector.broadcast %broadcast_in_dim3A_957 : i32 to vector<16xi32>
      %and3A_959 = arith.constant 127 : i32
      %and3A_960 = arith.andi %squeeze3A_101, %and3A_959 : i32
      %broadcast_in_dim3A_961 = vector.broadcast %and3A_960 : i32 to vector<16xi32>
      %gather3A_962 = tpu.vector_load_idx %arg8[%broadcast_in_dim3A_958, %iota3A, %broadcast_in_dim3A_961] : memref<16x16x128xf32, #tpu.memory_space<vmem>>[vector<16xi32>, vector<16xi32>, vector<16xi32>], vector<16xf32>,
      tpu.vector_store_idx %arg10[%iota3A, %broadcast_in_dim3A_956], %gather3A_962 : memref<16x512xf32, #tpu.memory_space<vmem>>[vector<16xi32>, vector<16xi32>], vector<16xf32>,
      %gather3A_963 = tpu.vector_load_idx %arg9[%broadcast_in_dim3A_958, %iota3A, %broadcast_in_dim3A_961] : memref<16x16x128xf32, #tpu.memory_space<vmem>>[vector<16xi32>, vector<16xi32>, vector<16xi32>], vector<16xf32>,
      tpu.vector_store_idx %arg11[%iota3A, %broadcast_in_dim3A_956], %gather3A_963 : memref<16x512xf32, #tpu.memory_space<vmem>>[vector<16xi32>, vector<16xi32>], vector<16xf32>,
      %mul3A_964 = arith.constant 16 : i32
      %mul3A_965 = arith.muli %scan3A_8, %mul3A_964 : i32
      %add3A_966 = arith.constant 4 : i32
      %add3A_967 = arith.addi %mul3A_965, %add3A_966 : i32
      %broadcast_in_dim3A_968 = vector.broadcast %add3A_967 : i32 to vector<16xi32>
      %broadcast_in_dim3A_969 = arith.constant 4 : i32
      %broadcast_in_dim3A_970 = vector.broadcast %broadcast_in_dim3A_969 : i32 to vector<16xi32>
      %and3A_971 = arith.constant 127 : i32
      %and3A_972 = arith.andi %squeeze3A_132, %and3A_971 : i32
      %broadcast_in_dim3A_973 = vector.broadcast %and3A_972 : i32 to vector<16xi32>
      %gather3A_974 = tpu.vector_load_idx %arg8[%broadcast_in_dim3A_970, %iota3A, %broadcast_in_dim3A_973] : memref<16x16x128xf32, #tpu.memory_space<vmem>>[vector<16xi32>, vector<16xi32>, vector<16xi32>], vector<16xf32>,
      tpu.vector_store_idx %arg10[%iota3A, %broadcast_in_dim3A_968], %gather3A_974 : memref<16x512xf32, #tpu.memory_space<vmem>>[vector<16xi32>, vector<16xi32>], vector<16xf32>,
      %gather3A_975 = tpu.vector_load_idx %arg9[%broadcast_in_dim3A_970, %iota3A, %broadcast_in_dim3A_973] : memref<16x16x128xf32, #tpu.memory_space<vmem>>[vector<16xi32>, vector<16xi32>, vector<16xi32>], vector<16xf32>,
      tpu.vector_store_idx %arg11[%iota3A, %broadcast_in_dim3A_968], %gather3A_975 : memref<16x512xf32, #tpu.memory_space<vmem>>[vector<16xi32>, vector<16xi32>], vector<16xf32>,
      %mul3A_976 = arith.constant 16 : i32
      %mul3A_977 = arith.muli %scan3A_8, %mul3A_976 : i32
      %add3A_978 = arith.constant 5 : i32
      %add3A_979 = arith.addi %mul3A_977, %add3A_978 : i32
      %broadcast_in_dim3A_980 = vector.broadcast %add3A_979 : i32 to vector<16xi32>
      %broadcast_in_dim3A_981 = arith.constant 5 : i32
      %broadcast_in_dim3A_982 = vector.broadcast %broadcast_in_dim3A_981 : i32 to vector<16xi32>
      %and3A_983 = arith.constant 127 : i32
      %and3A_984 = arith.andi %squeeze3A_163, %and3A_983 : i32
      %broadcast_in_dim3A_985 = vector.broadcast %and3A_984 : i32 to vector<16xi32>
      %gather3A_986 = tpu.vector_load_idx %arg8[%broadcast_in_dim3A_982, %iota3A, %broadcast_in_dim3A_985] : memref<16x16x128xf32, #tpu.memory_space<vmem>>[vector<16xi32>, vector<16xi32>, vector<16xi32>], vector<16xf32>,
      tpu.vector_store_idx %arg10[%iota3A, %broadcast_in_dim3A_980], %gather3A_986 : memref<16x512xf32, #tpu.memory_space<vmem>>[vector<16xi32>, vector<16xi32>], vector<16xf32>,
      %gather3A_987 = tpu.vector_load_idx %arg9[%broadcast_in_dim3A_982, %iota3A, %broadcast_in_dim3A_985] : memref<16x16x128xf32, #tpu.memory_space<vmem>>[vector<16xi32>, vector<16xi32>, vector<16xi32>], vector<16xf32>,
      tpu.vector_store_idx %arg11[%iota3A, %broadcast_in_dim3A_980], %gather3A_987 : memref<16x512xf32, #tpu.memory_space<vmem>>[vector<16xi32>, vector<16xi32>], vector<16xf32>,
      %mul3A_988 = arith.constant 16 : i32
      %mul3A_989 = arith.muli %scan3A_8, %mul3A_988 : i32
      %add3A_990 = arith.constant 6 : i32
      %add3A_991 = arith.addi %mul3A_989, %add3A_990 : i32
      %broadcast_in_dim3A_992 = vector.broadcast %add3A_991 : i32 to vector<16xi32>
      %broadcast_in_dim3A_993 = arith.constant 6 : i32
      %broadcast_in_dim3A_994 = vector.broadcast %broadcast_in_dim3A_993 : i32 to vector<16xi32>
      %and3A_995 = arith.constant 127 : i32
      %and3A_996 = arith.andi %squeeze3A_194, %and3A_995 : i32
      %broadcast_in_dim3A_997 = vector.broadcast %and3A_996 : i32 to vector<16xi32>
      %gather3A_998 = tpu.vector_load_idx %arg8[%broadcast_in_dim3A_994, %iota3A, %broadcast_in_dim3A_997] : memref<16x16x128xf32, #tpu.memory_space<vmem>>[vector<16xi32>, vector<16xi32>, vector<16xi32>], vector<16xf32>,
      tpu.vector_store_idx %arg10[%iota3A, %broadcast_in_dim3A_992], %gather3A_998 : memref<16x512xf32, #tpu.memory_space<vmem>>[vector<16xi32>, vector<16xi32>], vector<16xf32>,
      %gather3A_999 = tpu.vector_load_idx %arg9[%broadcast_in_dim3A_994, %iota3A, %broadcast_in_dim3A_997] : memref<16x16x128xf32, #tpu.memory_space<vmem>>[vector<16xi32>, vector<16xi32>, vector<16xi32>], vector<16xf32>,
      tpu.vector_store_idx %arg11[%iota3A, %broadcast_in_dim3A_992], %gather3A_999 : memref<16x512xf32, #tpu.memory_space<vmem>>[vector<16xi32>, vector<16xi32>], vector<16xf32>,
      %mul3A_1000 = arith.constant 16 : i32
      %mul3A_1001 = arith.muli %scan3A_8, %mul3A_1000 : i32
      %add3A_1002 = arith.constant 7 : i32
      %add3A_1003 = arith.addi %mul3A_1001, %add3A_1002 : i32
      %broadcast_in_dim3A_1004 = vector.broadcast %add3A_1003 : i32 to vector<16xi32>
      %broadcast_in_dim3A_1005 = arith.constant 7 : i32
      %broadcast_in_dim3A_1006 = vector.broadcast %broadcast_in_dim3A_1005 : i32 to vector<16xi32>
      %and3A_1007 = arith.constant 127 : i32
      %and3A_1008 = arith.andi %squeeze3A_225, %and3A_1007 : i32
      %broadcast_in_dim3A_1009 = vector.broadcast %and3A_1008 : i32 to vector<16xi32>
      %gather3A_1010 = tpu.vector_load_idx %arg8[%broadcast_in_dim3A_1006, %iota3A, %broadcast_in_dim3A_1009] : memref<16x16x128xf32, #tpu.memory_space<vmem>>[vector<16xi32>, vector<16xi32>, vector<16xi32>], vector<16xf32>,
      tpu.vector_store_idx %arg10[%iota3A, %broadcast_in_dim3A_1004], %gather3A_1010 : memref<16x512xf32, #tpu.memory_space<vmem>>[vector<16xi32>, vector<16xi32>], vector<16xf32>,
      %gather3A_1011 = tpu.vector_load_idx %arg9[%broadcast_in_dim3A_1006, %iota3A, %broadcast_in_dim3A_1009] : memref<16x16x128xf32, #tpu.memory_space<vmem>>[vector<16xi32>, vector<16xi32>, vector<16xi32>], vector<16xf32>,
      tpu.vector_store_idx %arg11[%iota3A, %broadcast_in_dim3A_1004], %gather3A_1011 : memref<16x512xf32, #tpu.memory_space<vmem>>[vector<16xi32>, vector<16xi32>], vector<16xf32>,
      %mul3A_1012 = arith.constant 16 : i32
      %mul3A_1013 = arith.muli %scan3A_8, %mul3A_1012 : i32
      %add3A_1014 = arith.constant 8 : i32
      %add3A_1015 = arith.addi %mul3A_1013, %add3A_1014 : i32
      %broadcast_in_dim3A_1016 = vector.broadcast %add3A_1015 : i32 to vector<16xi32>
      %broadcast_in_dim3A_1017 = arith.constant 8 : i32
      %broadcast_in_dim3A_1018 = vector.broadcast %broadcast_in_dim3A_1017 : i32 to vector<16xi32>
      %and3A_1019 = arith.constant 127 : i32
      %and3A_1020 = arith.andi %squeeze3A_256, %and3A_1019 : i32
      %broadcast_in_dim3A_1021 = vector.broadcast %and3A_1020 : i32 to vector<16xi32>
      %gather3A_1022 = tpu.vector_load_idx %arg8[%broadcast_in_dim3A_1018, %iota3A, %broadcast_in_dim3A_1021] : memref<16x16x128xf32, #tpu.memory_space<vmem>>[vector<16xi32>, vector<16xi32>, vector<16xi32>], vector<16xf32>,
      tpu.vector_store_idx %arg10[%iota3A, %broadcast_in_dim3A_1016], %gather3A_1022 : memref<16x512xf32, #tpu.memory_space<vmem>>[vector<16xi32>, vector<16xi32>], vector<16xf32>,
      %gather3A_1023 = tpu.vector_load_idx %arg9[%broadcast_in_dim3A_1018, %iota3A, %broadcast_in_dim3A_1021] : memref<16x16x128xf32, #tpu.memory_space<vmem>>[vector<16xi32>, vector<16xi32>, vector<16xi32>], vector<16xf32>,
      tpu.vector_store_idx %arg11[%iota3A, %broadcast_in_dim3A_1016], %gather3A_1023 : memref<16x512xf32, #tpu.memory_space<vmem>>[vector<16xi32>, vector<16xi32>], vector<16xf32>,
      %mul3A_1024 = arith.constant 16 : i32
      %mul3A_1025 = arith.muli %scan3A_8, %mul3A_1024 : i32
      %add3A_1026 = arith.constant 9 : i32
      %add3A_1027 = arith.addi %mul3A_1025, %add3A_1026 : i32
      %broadcast_in_dim3A_1028 = vector.broadcast %add3A_1027 : i32 to vector<16xi32>
      %broadcast_in_dim3A_1029 = arith.constant 9 : i32
      %broadcast_in_dim3A_1030 = vector.broadcast %broadcast_in_dim3A_1029 : i32 to vector<16xi32>
      %and3A_1031 = arith.constant 127 : i32
      %and3A_1032 = arith.andi %squeeze3A_287, %and3A_1031 : i32
      %broadcast_in_dim3A_1033 = vector.broadcast %and3A_1032 : i32 to vector<16xi32>
      %gather3A_1034 = tpu.vector_load_idx %arg8[%broadcast_in_dim3A_1030, %iota3A, %broadcast_in_dim3A_1033] : memref<16x16x128xf32, #tpu.memory_space<vmem>>[vector<16xi32>, vector<16xi32>, vector<16xi32>], vector<16xf32>,
      tpu.vector_store_idx %arg10[%iota3A, %broadcast_in_dim3A_1028], %gather3A_1034 : memref<16x512xf32, #tpu.memory_space<vmem>>[vector<16xi32>, vector<16xi32>], vector<16xf32>,
      %gather3A_1035 = tpu.vector_load_idx %arg9[%broadcast_in_dim3A_1030, %iota3A, %broadcast_in_dim3A_1033] : memref<16x16x128xf32, #tpu.memory_space<vmem>>[vector<16xi32>, vector<16xi32>, vector<16xi32>], vector<16xf32>,
      tpu.vector_store_idx %arg11[%iota3A, %broadcast_in_dim3A_1028], %gather3A_1035 : memref<16x512xf32, #tpu.memory_space<vmem>>[vector<16xi32>, vector<16xi32>], vector<16xf32>,
      %mul3A_1036 = arith.constant 16 : i32
      %mul3A_1037 = arith.muli %scan3A_8, %mul3A_1036 : i32
      %add3A_1038 = arith.constant 10 : i32
      %add3A_1039 = arith.addi %mul3A_1037, %add3A_1038 : i32
      %broadcast_in_dim3A_1040 = vector.broadcast %add3A_1039 : i32 to vector<16xi32>
      %broadcast_in_dim3A_1041 = arith.constant 10 : i32
      %broadcast_in_dim3A_1042 = vector.broadcast %broadcast_in_dim3A_1041 : i32 to vector<16xi32>
      %and3A_1043 = arith.constant 127 : i32
      %and3A_1044 = arith.andi %squeeze3A_318, %and3A_1043 : i32
      %broadcast_in_dim3A_1045 = vector.broadcast %and3A_1044 : i32 to vector<16xi32>
      %gather3A_1046 = tpu.vector_load_idx %arg8[%broadcast_in_dim3A_1042, %iota3A, %broadcast_in_dim3A_1045] : memref<16x16x128xf32, #tpu.memory_space<vmem>>[vector<16xi32>, vector<16xi32>, vector<16xi32>], vector<16xf32>,
      tpu.vector_store_idx %arg10[%iota3A, %broadcast_in_dim3A_1040], %gather3A_1046 : memref<16x512xf32, #tpu.memory_space<vmem>>[vector<16xi32>, vector<16xi32>], vector<16xf32>,
      %gather3A_1047 = tpu.vector_load_idx %arg9[%broadcast_in_dim3A_1042, %iota3A, %broadcast_in_dim3A_1045] : memref<16x16x128xf32, #tpu.memory_space<vmem>>[vector<16xi32>, vector<16xi32>, vector<16xi32>], vector<16xf32>,
      tpu.vector_store_idx %arg11[%iota3A, %broadcast_in_dim3A_1040], %gather3A_1047 : memref<16x512xf32, #tpu.memory_space<vmem>>[vector<16xi32>, vector<16xi32>], vector<16xf32>,
      %mul3A_1048 = arith.constant 16 : i32
      %mul3A_1049 = arith.muli %scan3A_8, %mul3A_1048 : i32
      %add3A_1050 = arith.constant 11 : i32
      %add3A_1051 = arith.addi %mul3A_1049, %add3A_1050 : i32
      %broadcast_in_dim3A_1052 = vector.broadcast %add3A_1051 : i32 to vector<16xi32>
      %broadcast_in_dim3A_1053 = arith.constant 11 : i32
      %broadcast_in_dim3A_1054 = vector.broadcast %broadcast_in_dim3A_1053 : i32 to vector<16xi32>
      %and3A_1055 = arith.constant 127 : i32
      %and3A_1056 = arith.andi %squeeze3A_349, %and3A_1055 : i32
      %broadcast_in_dim3A_1057 = vector.broadcast %and3A_1056 : i32 to vector<16xi32>
      %gather3A_1058 = tpu.vector_load_idx %arg8[%broadcast_in_dim3A_1054, %iota3A, %broadcast_in_dim3A_1057] : memref<16x16x128xf32, #tpu.memory_space<vmem>>[vector<16xi32>, vector<16xi32>, vector<16xi32>], vector<16xf32>,
      tpu.vector_store_idx %arg10[%iota3A, %broadcast_in_dim3A_1052], %gather3A_1058 : memref<16x512xf32, #tpu.memory_space<vmem>>[vector<16xi32>, vector<16xi32>], vector<16xf32>,
      %gather3A_1059 = tpu.vector_load_idx %arg9[%broadcast_in_dim3A_1054, %iota3A, %broadcast_in_dim3A_1057] : memref<16x16x128xf32, #tpu.memory_space<vmem>>[vector<16xi32>, vector<16xi32>, vector<16xi32>], vector<16xf32>,
      tpu.vector_store_idx %arg11[%iota3A, %broadcast_in_dim3A_1052], %gather3A_1059 : memref<16x512xf32, #tpu.memory_space<vmem>>[vector<16xi32>, vector<16xi32>], vector<16xf32>,
      %mul3A_1060 = arith.constant 16 : i32
      %mul3A_1061 = arith.muli %scan3A_8, %mul3A_1060 : i32
      %add3A_1062 = arith.constant 12 : i32
      %add3A_1063 = arith.addi %mul3A_1061, %add3A_1062 : i32
      %broadcast_in_dim3A_1064 = vector.broadcast %add3A_1063 : i32 to vector<16xi32>
      %broadcast_in_dim3A_1065 = arith.constant 12 : i32
      %broadcast_in_dim3A_1066 = vector.broadcast %broadcast_in_dim3A_1065 : i32 to vector<16xi32>
      %and3A_1067 = arith.constant 127 : i32
      %and3A_1068 = arith.andi %squeeze3A_380, %and3A_1067 : i32
      %broadcast_in_dim3A_1069 = vector.broadcast %and3A_1068 : i32 to vector<16xi32>
      %gather3A_1070 = tpu.vector_load_idx %arg8[%broadcast_in_dim3A_1066, %iota3A, %broadcast_in_dim3A_1069] : memref<16x16x128xf32, #tpu.memory_space<vmem>>[vector<16xi32>, vector<16xi32>, vector<16xi32>], vector<16xf32>,
      tpu.vector_store_idx %arg10[%iota3A, %broadcast_in_dim3A_1064], %gather3A_1070 : memref<16x512xf32, #tpu.memory_space<vmem>>[vector<16xi32>, vector<16xi32>], vector<16xf32>,
      %gather3A_1071 = tpu.vector_load_idx %arg9[%broadcast_in_dim3A_1066, %iota3A, %broadcast_in_dim3A_1069] : memref<16x16x128xf32, #tpu.memory_space<vmem>>[vector<16xi32>, vector<16xi32>, vector<16xi32>], vector<16xf32>,
      tpu.vector_store_idx %arg11[%iota3A, %broadcast_in_dim3A_1064], %gather3A_1071 : memref<16x512xf32, #tpu.memory_space<vmem>>[vector<16xi32>, vector<16xi32>], vector<16xf32>,
      %mul3A_1072 = arith.constant 16 : i32
      %mul3A_1073 = arith.muli %scan3A_8, %mul3A_1072 : i32
      %add3A_1074 = arith.constant 13 : i32
      %add3A_1075 = arith.addi %mul3A_1073, %add3A_1074 : i32
      %broadcast_in_dim3A_1076 = vector.broadcast %add3A_1075 : i32 to vector<16xi32>
      %broadcast_in_dim3A_1077 = arith.constant 13 : i32
      %broadcast_in_dim3A_1078 = vector.broadcast %broadcast_in_dim3A_1077 : i32 to vector<16xi32>
      %and3A_1079 = arith.constant 127 : i32
      %and3A_1080 = arith.andi %squeeze3A_411, %and3A_1079 : i32
      %broadcast_in_dim3A_1081 = vector.broadcast %and3A_1080 : i32 to vector<16xi32>
      %gather3A_1082 = tpu.vector_load_idx %arg8[%broadcast_in_dim3A_1078, %iota3A, %broadcast_in_dim3A_1081] : memref<16x16x128xf32, #tpu.memory_space<vmem>>[vector<16xi32>, vector<16xi32>, vector<16xi32>], vector<16xf32>,
      tpu.vector_store_idx %arg10[%iota3A, %broadcast_in_dim3A_1076], %gather3A_1082 : memref<16x512xf32, #tpu.memory_space<vmem>>[vector<16xi32>, vector<16xi32>], vector<16xf32>,
      %gather3A_1083 = tpu.vector_load_idx %arg9[%broadcast_in_dim3A_1078, %iota3A, %broadcast_in_dim3A_1081] : memref<16x16x128xf32, #tpu.memory_space<vmem>>[vector<16xi32>, vector<16xi32>, vector<16xi32>], vector<16xf32>,
      tpu.vector_store_idx %arg11[%iota3A, %broadcast_in_dim3A_1076], %gather3A_1083 : memref<16x512xf32, #tpu.memory_space<vmem>>[vector<16xi32>, vector<16xi32>], vector<16xf32>,
      %mul3A_1084 = arith.constant 16 : i32
      %mul3A_1085 = arith.muli %scan3A_8, %mul3A_1084 : i32
      %add3A_1086 = arith.constant 14 : i32
      %add3A_1087 = arith.addi %mul3A_1085, %add3A_1086 : i32
      %broadcast_in_dim3A_1088 = vector.broadcast %add3A_1087 : i32 to vector<16xi32>
      %broadcast_in_dim3A_1089 = arith.constant 14 : i32
      %broadcast_in_dim3A_1090 = vector.broadcast %broadcast_in_dim3A_1089 : i32 to vector<16xi32>
      %and3A_1091 = arith.constant 127 : i32
      %and3A_1092 = arith.andi %squeeze3A_442, %and3A_1091 : i32
      %broadcast_in_dim3A_1093 = vector.broadcast %and3A_1092 : i32 to vector<16xi32>
      %gather3A_1094 = tpu.vector_load_idx %arg8[%broadcast_in_dim3A_1090, %iota3A, %broadcast_in_dim3A_1093] : memref<16x16x128xf32, #tpu.memory_space<vmem>>[vector<16xi32>, vector<16xi32>, vector<16xi32>], vector<16xf32>,
      tpu.vector_store_idx %arg10[%iota3A, %broadcast_in_dim3A_1088], %gather3A_1094 : memref<16x512xf32, #tpu.memory_space<vmem>>[vector<16xi32>, vector<16xi32>], vector<16xf32>,
      %gather3A_1095 = tpu.vector_load_idx %arg9[%broadcast_in_dim3A_1090, %iota3A, %broadcast_in_dim3A_1093] : memref<16x16x128xf32, #tpu.memory_space<vmem>>[vector<16xi32>, vector<16xi32>, vector<16xi32>], vector<16xf32>,
      tpu.vector_store_idx %arg11[%iota3A, %broadcast_in_dim3A_1088], %gather3A_1095 : memref<16x512xf32, #tpu.memory_space<vmem>>[vector<16xi32>, vector<16xi32>], vector<16xf32>,
      %mul3A_1096 = arith.constant 16 : i32
      %mul3A_1097 = arith.muli %scan3A_8, %mul3A_1096 : i32
      %add3A_1098 = arith.constant 15 : i32
      %add3A_1099 = arith.addi %mul3A_1097, %add3A_1098 : i32
      %broadcast_in_dim3A_1100 = vector.broadcast %add3A_1099 : i32 to vector<16xi32>
      %broadcast_in_dim3A_1101 = arith.constant 15 : i32
      %broadcast_in_dim3A_1102 = vector.broadcast %broadcast_in_dim3A_1101 : i32 to vector<16xi32>
      %and3A_1103 = arith.constant 127 : i32
      %and3A_1104 = arith.andi %squeeze3A_473, %and3A_1103 : i32
      %broadcast_in_dim3A_1105 = vector.broadcast %and3A_1104 : i32 to vector<16xi32>
      %gather3A_1106 = tpu.vector_load_idx %arg8[%broadcast_in_dim3A_1102, %iota3A, %broadcast_in_dim3A_1105] : memref<16x16x128xf32, #tpu.memory_space<vmem>>[vector<16xi32>, vector<16xi32>, vector<16xi32>], vector<16xf32>,
      tpu.vector_store_idx %arg10[%iota3A, %broadcast_in_dim3A_1100], %gather3A_1106 : memref<16x512xf32, #tpu.memory_space<vmem>>[vector<16xi32>, vector<16xi32>], vector<16xf32>,
      %gather3A_1107 = tpu.vector_load_idx %arg9[%broadcast_in_dim3A_1102, %iota3A, %broadcast_in_dim3A_1105] : memref<16x16x128xf32, #tpu.memory_space<vmem>>[vector<16xi32>, vector<16xi32>, vector<16xi32>], vector<16xf32>,
      tpu.vector_store_idx %arg11[%iota3A, %broadcast_in_dim3A_1100], %gather3A_1107 : memref<16x512xf32, #tpu.memory_space<vmem>>[vector<16xi32>, vector<16xi32>], vector<16xf32>,
    }
    %scan3A_7 = arith.constant 32 : i32
    "tpu.region"() ({
      %run_scoped3A = tpu.sem_alloc : memref<!tpu.dma_semaphore, #tpu.memory_space<semaphore_mem>>
      %dma_start3A = arith.constant 0 : i32
      %dma_start3A_8 = tpu.memref_slice %arg5[%dma_start3A, %mul3A_2] : memref<16x16384xf32, #tpu.memory_space<hbm>> -> memref<16x512xf32, #tpu.memory_space<hbm>>
      %dma_start3A_9 = arith.constant 0 : i32
      %dma_start3A_10 = tpu.memref_slice %arg5[%dma_start3A_9, %mul3A_2] : memref<16x16384xf32, #tpu.memory_space<hbm>> -> memref<16x512xf32, #tpu.memory_space<hbm>>
      tpu.enqueue_dma source(%arg10 : memref<16x512xf32, #tpu.memory_space<vmem>>) target(%dma_start3A_10 : memref<16x512xf32, #tpu.memory_space<hbm>>) target_semaphore(%run_scoped3A : memref<!tpu.dma_semaphore, #tpu.memory_space<semaphore_mem>>)
      %dma_wait3A = arith.constant 0 : i32
      %dma_wait3A_11 = tpu.memref_slice %arg5[%dma_wait3A, %mul3A_2] : memref<16x16384xf32, #tpu.memory_space<hbm>> -> memref<16x512xf32, #tpu.memory_space<hbm>>
      %dma_wait3A_12 = arith.constant 0 : i32
      %dma_wait3A_13 = tpu.memref_slice %arg5[%dma_wait3A_12, %mul3A_2] : memref<16x16384xf32, #tpu.memory_space<hbm>> -> memref<16x512xf32, #tpu.memory_space<hbm>>
      tpu.wait_dma2 semaphore(%run_scoped3A : memref<!tpu.dma_semaphore, #tpu.memory_space<semaphore_mem>>) src(%arg10 : memref<16x512xf32, #tpu.memory_space<vmem>>) dst(%dma_wait3A_13 : memref<16x512xf32, #tpu.memory_space<hbm>>)
      tpu.yield
    }) : () -> ()
    "tpu.region"() ({
      %run_scoped3A = tpu.sem_alloc : memref<!tpu.dma_semaphore, #tpu.memory_space<semaphore_mem>>
      %dma_start3A = arith.constant 0 : i32
      %dma_start3A_8 = tpu.memref_slice %arg6[%dma_start3A, %mul3A_2] : memref<16x16384xf32, #tpu.memory_space<hbm>> -> memref<16x512xf32, #tpu.memory_space<hbm>>
      %dma_start3A_9 = arith.constant 0 : i32
      %dma_start3A_10 = tpu.memref_slice %arg6[%dma_start3A_9, %mul3A_2] : memref<16x16384xf32, #tpu.memory_space<hbm>> -> memref<16x512xf32, #tpu.memory_space<hbm>>
      tpu.enqueue_dma source(%arg11 : memref<16x512xf32, #tpu.memory_space<vmem>>) target(%dma_start3A_10 : memref<16x512xf32, #tpu.memory_space<hbm>>) target_semaphore(%run_scoped3A : memref<!tpu.dma_semaphore, #tpu.memory_space<semaphore_mem>>)
      %dma_wait3A = arith.constant 0 : i32
      %dma_wait3A_11 = tpu.memref_slice %arg6[%dma_wait3A, %mul3A_2] : memref<16x16384xf32, #tpu.memory_space<hbm>> -> memref<16x512xf32, #tpu.memory_space<hbm>>
      %dma_wait3A_12 = arith.constant 0 : i32
      %dma_wait3A_13 = tpu.memref_slice %arg6[%dma_wait3A_12, %mul3A_2] : memref<16x16384xf32, #tpu.memory_space<hbm>> -> memref<16x512xf32, #tpu.memory_space<hbm>>
      tpu.wait_dma2 semaphore(%run_scoped3A : memref<!tpu.dma_semaphore, #tpu.memory_space<semaphore_mem>>) src(%arg11 : memref<16x512xf32, #tpu.memory_space<vmem>>) dst(%dma_wait3A_13 : memref<16x512xf32, #tpu.memory_space<hbm>>)
      tpu.yield
    }) : () -> ()
    return
  }
}

module attributes {stable_mosaic.version = 14 : i64} {
  func.func @_proj_body(%arg0: i32, %arg1: memref<16x8192xf32, #tpu.memory_space<vmem>>, %arg2: memref<16x8192xf32, #tpu.memory_space<vmem>>, %arg3: memref<16x128xf32, #tpu.memory_space<vmem>>, %arg4: memref<16x128xf32, #tpu.memory_space<vmem>>, %arg5: memref<1x128xf32, #tpu.memory_space<vmem>>, %arg6: memref<1x128xf32, #tpu.memory_space<vmem>>, %arg7: memref<8192x128xf32, #tpu.memory_space<vmem>>, %arg8: memref<8192x128xf32, #tpu.memory_space<vmem>>) attributes {dimension_semantics = [#tpu.dimension_semantics<arbitrary>], iteration_bounds = array<i64: 2>, scalar_prefetch = 0 : i64, scratch_operands = 0 : i64, tpu.core_type = #tpu.core_type<tc>, window_params = [{transform_indices = @transform_0, window_bounds = array<i64: 16, 8192>}, {transform_indices = @transform_1, window_bounds = array<i64: 16, 8192>}, {pipeline_mode = #tpu.pipeline_mode<synchronous>, transform_indices = @transform_2, window_bounds = array<i64: 16, 128>}, {pipeline_mode = #tpu.pipeline_mode<synchronous>, transform_indices = @transform_3, window_bounds = array<i64: 16, 128>}, {pipeline_mode = #tpu.pipeline_mode<synchronous>, transform_indices = @transform_4, window_bounds = array<i64: 1, 128>}, {pipeline_mode = #tpu.pipeline_mode<synchronous>, transform_indices = @transform_5, window_bounds = array<i64: 1, 128>}, {transform_indices = @transform_6, window_bounds = array<i64: 8192, 128>}, {transform_indices = @transform_7, window_bounds = array<i64: 8192, 128>}]} {
    %get3A = arith.constant 0 : index
    %get3A_0 = arith.constant 0 : index
    %get3A_1 = vector.load %arg1[%get3A, %get3A_0] : memref<16x8192xf32, #tpu.memory_space<vmem>>, vector<16x8192xf32>
    %get3A_2 = arith.constant 0 : index
    %get3A_3 = arith.constant 0 : index
    %get3A_4 = vector.load %arg3[%get3A_2, %get3A_3] : memref<16x128xf32, #tpu.memory_space<vmem>>, vector<16x128xf32>
    %dot_general3A = arith.constant dense<0.000000e+00> : vector<8192x128xf32>
    %dot_general3A_5 = tpu.matmul %get3A_1, %get3A_4, %dot_general3A {dimension_numbers = #tpu.dot_dimension_numbers<[0], [0], [1], [1], [0, 1, 1, 1], [], []>, transpose_lhs_hint = false} : vector<16x8192xf32>, vector<16x128xf32>, vector<8192x128xf32> -> vector<8192x128xf32>
    %get3A_6 = arith.constant 0 : index
    %get3A_7 = arith.constant 0 : index
    %get3A_8 = vector.load %arg5[%get3A_6, %get3A_7] : memref<1x128xf32, #tpu.memory_space<vmem>>, vector<1x128xf32>
    %add3A = vector.broadcast %get3A_8 : vector<1x128xf32> to vector<8192x128xf32>
    %add3A_9 = arith.addf %dot_general3A_5, %add3A : vector<8192x128xf32>
    %swap3A = arith.constant 0 : index
    %swap3A_10 = arith.constant 0 : index
    %swap3A_11 = vector.load %arg7[%swap3A, %swap3A_10] : memref<8192x128xf32, #tpu.memory_space<vmem>>, vector<8192x128xf32>
    tpu.vector_store %arg7[%swap3A, %swap3A_10], %add3A_9 {strides = array<i32>} : memref<8192x128xf32, #tpu.memory_space<vmem>>, vector<8192x128xf32>,
    %get3A_12 = arith.constant 0 : index
    %get3A_13 = arith.constant 0 : index
    %get3A_14 = vector.load %arg2[%get3A_12, %get3A_13] : memref<16x8192xf32, #tpu.memory_space<vmem>>, vector<16x8192xf32>
    %get3A_15 = arith.constant 0 : index
    %get3A_16 = arith.constant 0 : index
    %get3A_17 = vector.load %arg4[%get3A_15, %get3A_16] : memref<16x128xf32, #tpu.memory_space<vmem>>, vector<16x128xf32>
    %dot_general3A_18 = arith.constant dense<0.000000e+00> : vector<8192x128xf32>
    %dot_general3A_19 = tpu.matmul %get3A_14, %get3A_17, %dot_general3A_18 {dimension_numbers = #tpu.dot_dimension_numbers<[0], [0], [1], [1], [0, 1, 1, 1], [], []>, transpose_lhs_hint = false} : vector<16x8192xf32>, vector<16x128xf32>, vector<8192x128xf32> -> vector<8192x128xf32>
    %get3A_20 = arith.constant 0 : index
    %get3A_21 = arith.constant 0 : index
    %get3A_22 = vector.load %arg6[%get3A_20, %get3A_21] : memref<1x128xf32, #tpu.memory_space<vmem>>, vector<1x128xf32>
    %add3A_23 = vector.broadcast %get3A_22 : vector<1x128xf32> to vector<8192x128xf32>
    %add3A_24 = arith.addf %dot_general3A_19, %add3A_23 : vector<8192x128xf32>
    %swap3A_25 = arith.constant 0 : index
    %swap3A_26 = arith.constant 0 : index
    %swap3A_27 = vector.load %arg8[%swap3A_25, %swap3A_26] : memref<8192x128xf32, #tpu.memory_space<vmem>>, vector<8192x128xf32>
    tpu.vector_store %arg8[%swap3A_25, %swap3A_26], %add3A_24 {strides = array<i32>} : memref<8192x128xf32, #tpu.memory_space<vmem>>, vector<8192x128xf32>,
    return
  }
  func.func @transform_0(%arg0: i32) -> (i32, i32) {
    %c0_i32 = arith.constant 0 : i32
    %c0_i32_0 = arith.constant 0 : i32
    return %c0_i32, %arg0 : i32, i32
  }
  func.func @transform_1(%arg0: i32) -> (i32, i32) {
    %c0_i32 = arith.constant 0 : i32
    %c0_i32_0 = arith.constant 0 : i32
    return %c0_i32, %arg0 : i32, i32
  }
  func.func @transform_2(%arg0: i32) -> (i32, i32) {
    %c0_i32 = arith.constant 0 : i32
    %c0_i32_0 = arith.constant 0 : i32
    %c0_i32_1 = arith.constant 0 : i32
    return %c0_i32, %c0_i32_0 : i32, i32
  }
  func.func @transform_3(%arg0: i32) -> (i32, i32) {
    %c0_i32 = arith.constant 0 : i32
    %c0_i32_0 = arith.constant 0 : i32
    %c0_i32_1 = arith.constant 0 : i32
    return %c0_i32, %c0_i32_0 : i32, i32
  }
  func.func @transform_4(%arg0: i32) -> (i32, i32) {
    %c0_i32 = arith.constant 0 : i32
    %c0_i32_0 = arith.constant 0 : i32
    %c0_i32_1 = arith.constant 0 : i32
    return %c0_i32, %c0_i32_0 : i32, i32
  }
  func.func @transform_5(%arg0: i32) -> (i32, i32) {
    %c0_i32 = arith.constant 0 : i32
    %c0_i32_0 = arith.constant 0 : i32
    %c0_i32_1 = arith.constant 0 : i32
    return %c0_i32, %c0_i32_0 : i32, i32
  }
  func.func @transform_6(%arg0: i32) -> (i32, i32) {
    %c0_i32 = arith.constant 0 : i32
    %c0_i32_0 = arith.constant 0 : i32
    return %arg0, %c0_i32 : i32, i32
  }
  func.func @transform_7(%arg0: i32) -> (i32, i32) {
    %c0_i32 = arith.constant 0 : i32
    %c0_i32_0 = arith.constant 0 : i32
    return %arg0, %c0_i32 : i32, i32
  }
}

</mosaic_0001>

<sc_bundles>
// kernel: kernel.4.cloned.1.call-start
scs
__scs_entry_jumppad:
0x0: {  	(pc) =	sbr.rel $0x88, $3  }
0x1: {  	(tag) =	ssettag $0x0;
	lr =	simm.s32 $0x1  }
0x2: {  	[smem:$0x3F9A] =	sst lr;
	_ =	strace $0xD0000000  }
0x3: {  	_ = 	snop  }
0x4: {  	_ = 	snop  }
0x5: {  	_ = 	snop  }
0x6: {  	_ = 	snop  }
0x7: {  	_ = 	snop  }
__scs_overlays_trampoline_lowered:
0x8: {  	[smem:$0x3FA9] =	sst s0  }
0x9: {  	[smem:$0x3FAA] =	sst s1  }
0xa: {  	[smem:$0x3FAB] =	sst s2  }
0xb: {  	[smem:$0x3FAC] =	sst s3  }
0xc: {  	[smem:$0x3FAD] =	sst s4  }
0xd: {  	[smem:$0x3FAE] =	sst s5  }
0xe: {  	[smem:$0x3FAF] =	sst s6  }
0xf: {  	[smem:$0x3FB0] =	sst s7  }
0x10: {  	[smem:$0x3FB1] =	sst s8  }
0x11: {  	[smem:$0x3FB2] =	sst s9;
	s0 =	simm.s32 @!p0 $0x0  }
0x12: {  	s1 =	sld [smem:$0x3F98];
	s0 =	simm.s32 @p0 $0x1  }
0x13: {  	[smem:$0x3FB3] =	sst s0;
	s0 =	simm.s32 @!p1 $0x0  }
0x14: {  	s2 =	sld [smem:$0x3F97];
	s0 =	simm.s32 @p1 $0x1  }
0x15: {  	[smem:$0x3FB4] =	sst s0;
	s0 =	simm.s32 @!p2 $0x0  }
0x16: {  	s3 =	sld [smem:$0x3FDB];
	s0 =	simm.s32 @p2 $0x1  }
0x17: {  	s4 =	simm.s32 $0x1BF5;
	[smem:$0x3FB6] =	sst s0  }
0x18: {  	s0 =	sld [smem:$0x3F99];
	_ =	swait.ge [sflag:s4], $0x0  }
0x19: {  	s7 =	sld [smem:$0x3F9A]  }
0x1a: {  	s8 =	sadd.s32 $0xFFFFE003, lr  }
0x1b: {  	s9 =	sadd.s32 $0xFFFFFEF7, lr;
	s5 =	simm.s32 $0xFFFFFFFF;
	p2 =	slt.u32 s8, $0xFFFFF086  }
0x1c: {  	p1 =	slt.u32 s9, $0xF7A;
	s5 =	simm.s32 @!p2 $0x0  }
0x1d: {  	s5 =	simm.s32 @p1 $0x1;
	p0 =	seq.s32 s7, s2  }
0x1e: {  	s7 =	smul.u32 @!p0 $0xF7A, s2;
	p2 =	seq.s32 @!p0 s5, $0x0  }
0x1f: {  	s9 =	smul.u32 $0xF7A, s1;
	s8 =	simm.s32 @!p0 $0x1BF5;
	p2 =	por !p2, p0  }
0x20: {  	[sflag:s8] =	ssyncset.s32 @!p0 $0xFFFFF086;
	s6 =	sadd.s32 @!p0 s3, s7;
	s7 =	simm.s32 @!p0 $0x108  }
0x21: {  	s3 =	sadd.s32 s3, s9;
	s6 =	sadd.s32 @!p0 $0x88, s6;
	s7 =	simm.s32 @p2 $0x1082  }
0x22: {  	[simem:s7], [sflag:s8] =	dma.local @!p0 [hbm:s6], $0xF7A  }
0x23: {  	s9 =	sor.u32 $0xD0000000, s2;
	s6 =	simm.s32 $0x108;
	_ =	swait.ge @!p0 [sflag:s8], $0x0  }
0x24: {  	s3 =	sadd.s32 $0x88, s3;
	s6 =	simm.s32 @!p1 $0x1082;
	[sflag:s4] =	ssyncset.s32 $0xFFFFF086  }
0x25: {  	[simem:s6], [sflag:s4] =	dma.local [hbm:s3], $0xF7A  }
0x26: {  	[smem:$0x3F9A] =	sst s1;
	(tag) =	ssettag s2;
	_ =	strace s9  }
0x27: {  	s1 =	sld [smem:$0x3FAA]  }
0x28: {  	s2 =	sld [smem:$0x3FAB]  }
0x29: {  	s4 =	sld [smem:$0x3FAD]  }
0x2a: {  	p0 =	seq.s32 s5, $0x0;
	s5 =	sld [smem:$0x3FAE]  }
0x2b: {  	s6 =	sld [smem:$0x3FAF]  }
0x2c: {  	s7 =	sld [smem:$0x3FB0]  }
0x2d: {  	s3 =	simm.s32 $0x108;
	s8 =	sld [smem:$0x3FB1]  }
0x2e: {  	s3 =	simm.s32 @!p0 $0x1082;
	s9 =	sld [smem:$0x3FB2]  }
0x2f: {  	lr =	sadd.s32 s0, s3;
	s0 =	sld [smem:$0x3FA9]  }
0x30: {  	s3 =	sld [smem:$0x3FAC]  }
0x31: {  	[smem:$0x3FB5] =	sst s10  }
0x32: {  	s10 =	sld [smem:$0x3FB3];
	_ =	sdelay $0x3  }
0x33: {  	p0 =	seq.s32 s10, $0x1;
	s10 =	sld [smem:$0x3FB5];
	_ =	sdelay $0x3  }
0x34: {  	[smem:$0x3FB5] =	sst s10  }
0x35: {  	s10 =	sld [smem:$0x3FB4];
	_ =	sdelay $0x3  }
0x36: {  	p1 =	seq.s32 s10, $0x1;
	s10 =	sld [smem:$0x3FB5];
	_ =	sdelay $0x3  }
0x37: {  	[smem:$0x3FB5] =	sst s10  }
0x38: {  	s10 =	sld [smem:$0x3FB6]  }
0x39: {  	_ = 	snop;
	(pc) =	sbr.ind lr, $3  }
0x3a: {  	_ = 	snop  }
0x3b: {  	_ = 	snop  }
0x3c: {  	p2 =	seq.s32 s10, $0x1;
	s10 =	sld [smem:$0x3FB5]  }
0x3d: {  	_ =	shalt  }
0x3e: {  	_ =	shalt  }
0x3f: {  	_ =	shalt  }
0x40: {  	_ =	shalt  }
0x41: {  	_ =	shalt  }
0x42: {  	_ =	shalt  }
0x43: {  	_ =	shalt  }
0x44: {  	_ =	shalt  }
0x45: {  	_ =	shalt  }
0x46: {  	_ =	shalt  }
0x47: {  	_ =	shalt  }
0x48: {  	_ =	shalt  }
0x49: {  	_ =	shalt  }
0x4a: {  	_ =	shalt  }
0x4b: {  	_ =	shalt  }
0x4c: {  	_ =	shalt  }
0x4d: {  	_ =	shalt  }
0x4e: {  	_ =	shalt  }
0x4f: {  	_ =	shalt  }
0x50: {  	_ =	shalt  }
0x51: {  	_ =	shalt  }
0x52: {  	_ =	shalt  }
0x53: {  	_ =	shalt  }
0x54: {  	_ =	shalt  }
0x55: {  	_ =	shalt  }
0x56: {  	_ =	shalt  }
0x57: {  	_ =	shalt  }
0x58: {  	_ =	shalt  }
0x59: {  	_ =	shalt  }
0x5a: {  	_ =	shalt  }
0x5b: {  	_ =	shalt  }
0x5c: {  	_ =	shalt  }
0x5d: {  	_ =	shalt  }
0x5e: {  	_ =	shalt  }
0x5f: {  	_ =	shalt  }
0x60: {  	_ =	shalt  }
0x61: {  	_ =	shalt  }
0x62: {  	_ =	shalt  }
0x63: {  	_ =	shalt  }
0x64: {  	_ =	shalt  }
0x65: {  	_ =	shalt  }
0x66: {  	_ =	shalt  }
0x67: {  	_ =	shalt  }
0x68: {  	_ =	shalt  }
0x69: {  	_ =	shalt  }
0x6a: {  	_ =	shalt  }
0x6b: {  	_ =	shalt  }
0x6c: {  	_ =	shalt  }
0x6d: {  	_ =	shalt  }
0x6e: {  	_ =	shalt  }
0x6f: {  	_ =	shalt  }
0x70: {  	_ =	shalt  }
0x71: {  	_ =	shalt  }
0x72: {  	_ =	shalt  }
0x73: {  	_ =	shalt  }
0x74: {  	_ =	shalt  }
0x75: {  	_ =	shalt  }
0x76: {  	_ =	shalt  }
0x77: {  	_ =	shalt  }
0x78: {  	_ =	shalt  }
0x79: {  	_ =	shalt  }
0x7a: {  	_ =	shalt  }
0x7b: {  	_ =	shalt  }
0x7c: {  	_ =	shalt  }
0x7d: {  	_ =	shalt  }
0x7e: {  	_ =	shalt  }
0x7f: {  	_ =	shalt  }
0x80: {  	_ =	shalt  }
0x81: {  	_ =	shalt  }
0x82: {  	_ =	shalt  }
0x83: {  	_ =	shalt  }
0x84: {  	_ =	shalt  }
0x85: {  	_ =	shalt  }
0x86: {  	_ =	shalt  }
0x87: {  	_ =	shalt  }
.Lfunc_end0:
.L_simem_size_0:
called_computation_lowered:
.L_overlay_start_0:
0x88: {  	s2 =	sld [smem:$0x3FD9]  }
0x89: {  	s3 =	sld [smem:$0x3FFE];
	_ =	sdelay $0x1  }
0x8a: {  	s1 =	srdreg.scid  }
0x8b: {  	s0 =	sand.u32 $0x1, s1  }
0x8c: {  	s15 =	sshll.u32 s0, $0xA;
	s2 =	sadd.s32 s3, s2  }
0x8d: {  	s2 =	sadd.s32 s2, s15  }
0x8e: {  	[smem:$0x3FC1] =	sst s2  }
0x8f: {  	_ = 	snop  }
0x90: {  	s2 =	sld [smem:$0x3FD0]  }
0x91: {  	s16 =	sld [smem:$0x3FC9]  }
0x92: {  	s4 =	sld [smem:$0x3FC8]  }
0x93: {  	s6 =	simm.s32 $0xA;
	s7 =	simm.s32 $0x10;
	s5 =	sld [smem:$0x3FC7]  }
0x94: {  	[smem:s7], [sflag:s6] =	dma.local [hbm:s2], $0x1  }
0x95: {  	_ =	swait.eq [sflag:s6], $0x1  }
0x96: {  	[sflag:s6] =	ssyncset.done $0x0  }
0x97: {  	s17 =	sld [smem:$0x10];
	[sflag:s6] =	ssyncadd.s32 $0xFFFFFFFF  }
0x98: {  	s18 =	sld [smem:$0x11];
	(tm) =	ssettm $0x1  }
0x99: {  	s19 =	sld [smem:$0x3FFB];
	_ =	sdelay $0x3  }
0x9a: {  	_ =	strace s19  }
0x9b: {  	s7 =	sld [smem:$0x3FFC];
	_ =	sdelay $0x3  }
0x9c: {  	_ =	strace s7  }
0x9d: {  	s7 =	sld [smem:$0x3FFD];
	_ =	sdelay $0x3  }
0x9e: {  	_ =	strace s7  }
0x9f: {  	_ =	strace $0x8FFFFFFF  }
0xa0: {  	s20 =	sld [smem:$0x3FDB];
	_ =	sdelay $0x1  }
0xa1: {  	s8 =	simm.s32 $_scs_section_size  }
0xa2: {  	s9 =	simm.s32 $_size__tile_overlayer_lowered;
	s10 =	simm.s32 $_tile_overlayer_lowered  }
0xa3: {  	s23 =	simm.s32 $0x1BFF;
	s22 =	sshll.u32 s10, $0x1;
	s7 =	sadd.s32 s8, s20  }
0xa4: {  	s11 =	simm.s32 $0x0;
	s21 =	sshll.u32 s9, $0x1;
	s9 =	sadd.s32 s22, s7  }
0xa5: {  	[timem:s11], [sflag:s23] =	dma.local [hbm:s9], s21  }
0xa6: {  	_ =	swait.ge [sflag:s23], s21  }
0xa7: {  	s8 =	ssub.s32 $0x0, s21;
	[sflag:s23] =	ssyncset.done $0x0  }
0xa8: {  	[sflag:s23] =	ssyncadd.s32 s8;
	_ =	sdelay $0x1  }
0xa9: {  	s24 =	simm.s32 $0x1B8B  }
0xaa: {  	_ =	swait.ge [sflag:s24], $0x1  }
0xab: {  	[sflag:s24] =	ssyncset.done $0x0  }
0xac: {  	s25 =	simm.s32 $0x1B8E;
	[sflag:s24] =	ssyncadd.s32 $0xFFFFFFFF  }
0xad: {  	s26 =	simm.s32 $execute0_lowered;
	[smem:$0x3FD2] =	sst s25  }
0xae: {  	s8 =	sshll.u32 s26, $0x1;
	_ =	strace $0x80000046;
	[dreg:$0x1] =	wrdreg $0xFFFFFFFF  }
0xaf: {  	s28 =	simm.s32 $_size_execute0_lowered;
	s7 =	sadd.s32 s7, s8;
	[dreg:$0x0] =	wrdreg $0x0  }
0xb0: {  	s8 =	sshll.u32 s28, $0x1;
	[dreg:$0x2] =	wrdreg s7  }
0xb1: {  	[dreg:$0x3] =	wrdreg s8  }
0xb2: {  	[dreg:$0x4] =	wrdreg $0xC0  }
0xb3: {  	_ =	task [dreg:s11], $0x5FFFF  }
0xb4: {  	[dreg:$0x1] =	wrdreg $0xFFFFFFFF  }
0xb5: {  	[dreg:$0x0] =	wrdreg $0x60  }
0xb6: {  	[dreg:$0x2] =	wrdreg s16  }
0xb7: {  	[dreg:$0x3] =	wrdreg s4  }
0xb8: {  	[dreg:$0x4] =	wrdreg s5  }
0xb9: {  	[dreg:$0x5] =	wrdreg s18  }
0xba: {  	[dreg:$0x6] =	wrdreg s17  }
0xbb: {  	[dreg:$0x7] =	wrdreg $0x9  }
0xbc: {  	_ =	task.clear_ibuf [dreg:s11], $0x8FFFF;
	_ =	strace $0x90000046  }
0xbd: {  	s29 =	simm.s32 $0x9;
	_ =	strace $0x80000048  }
0xbe: {  	_ =	swait.ge [sflag:s29], $0x1  }
0xbf: {  	[sflag:s29] =	ssyncadd.s32 $0xFFFFFFFF  }
0xc0: {  	_ =	strace $0x90000048  }
0xc1: {  	_ =	sfence  }
0xc2: {  	s30 =	sld [smem:$0x0];
	_ =	sdelay $0x2  }
0xc3: {  	s31 =	sshll.u32 s1, $0xD;
	s1 =	sshrl.u32 s1, $0x2  }
0xc4: {  	s3 =	sand.u32 $0x4000, s31;
	s1 =	sadd.s32 s1, s30  }
0xc5: {  	s0 =	sor.u32 s3, s0;
	s1 =	sshll.u32 s1, $0x11  }
0xc6: {  	s0 =	sor.u32 s1, s0  }
0xc7: {  	s0 =	sadd.s32 $0x8F2B, s0  }
0xc8: {  	[sflag:s0] =	ssyncadd.remote.s32 $0x1  }
0xc9: {  	_ =	sfence.sel $0xFFFF  }
0xca: {  	[dreg:$0x0] =	wrdreg $0xFFFFFFFF;
	(pc) =	sbr.abs _section_cstart, $3  }
0xcb: {  	[dreg:$0x1] =	wrdreg $0xFFFFFFFF  }
0xcc: {  	_ =	task.clear_ibuf [dreg:s11], $0x2FFFF;
	_ =	strace $0x9FFFFFFF  }
0xcd: {  	(tm) =	ssettm $0x7FFFFFFF  }
tec
execute0_lowered:
.L_overlay_start_1:
0x0: {  	(tag) =	ssettag $0x1  }
0x1: {  	s4 =	rddreg [dreg:$0x0]  }
0x2: {  	s1 =	rddreg [dreg:$0x1]  }
0x3: {  	s2 =	rddreg [dreg:$0x2]  }
0x4: {  	s3 =	rddreg [dreg:$0x3]  }
0x5: {  	s0 =	rddreg [dreg:$0x4];
	s5 =	simm.s32 $0x0  }
0x6: {  	s24 =	simm.s32 $0xA00;
	[smem:$0x7FF] =	sst s5  }
0x7: {  	s25 =	simm.s32 $0x8A00;
	_ =	strace $0x80000047;
	[dreg:$0x6] =	wrdreg s24  }
0x8: {  	s26 =	simm.s32 $0x1200;
	[dreg:$0x7] =	wrdreg s25  }
0x9: {  	s28 =	simm.s32 $0x9200;
	[dreg:$0x8] =	wrdreg s26  }
0xa: {  	s29 =	simm.s32 $0x1A00;
	[dreg:$0x9] =	wrdreg s28  }
0xb: {  	s30 =	simm.s32 $0x9A00;
	[dreg:$0xa] =	wrdreg s29  }
0xc: {  	s31 =	simm.s32 $0x2200;
	[dreg:$0xb] =	wrdreg s30  }
0xd: {  	s6 =	simm.s32 $0xA200;
	[dreg:$0xc] =	wrdreg s31  }
0xe: {  	s7 =	simm.s32 $0x2A00;
	[dreg:$0xd] =	wrdreg s6  }
0xf: {  	s8 =	simm.s32 $0xAA00;
	[dreg:$0xe] =	wrdreg s7  }
0x10: {  	s9 =	simm.s32 $0x3200;
	[dreg:$0xf] =	wrdreg s8  }
0x11: {  	s10 =	simm.s32 $0xB200;
	[dreg:$0x10] =	wrdreg s9  }
0x12: {  	s11 =	simm.s32 $0x3A00;
	[dreg:$0x11] =	wrdreg s10  }
0x13: {  	s12 =	simm.s32 $0xBA00;
	[dreg:$0x12] =	wrdreg s11  }
0x14: {  	s13 =	simm.s32 $0x4200;
	[dreg:$0x13] =	wrdreg s12  }
0x15: {  	s14 =	simm.s32 $0xC200;
	[dreg:$0x14] =	wrdreg s13  }
0x16: {  	v0 =	vimm.s32 $0x1380;
	vm0 =	vcmask $0x300;
	s15 =	simm.s32 $0x4A00;
	[dreg:$0x15] =	wrdreg s14  }
0x17: {  	vm14 =	vcmask $0x704;
	s16 =	simm.s32 $0xCA00;
	v0 =	vsel vm0, $0x0, v0;
	[dreg:$0x16] =	wrdreg s15  }
0x18: {  	vm15 =	vcmask $0xB08;
	s17 =	simm.s32 $0x5200;
	v0 =	vsel vm14, $0x80, v0;
	[dreg:$0x17] =	wrdreg s16  }
0x19: {  	vm4 =	vcmask $0xF0C;
	s19 =	simm.s32 $0xD200;
	[dreg:$0x18] =	wrdreg s17;
	v0 =	vsel vm15, $0x100, v0  }
0x1a: {  	vm5 =	vcmask $0x1310;
	s20 =	simm.s32 $0x5A00;
	[dreg:$0x19] =	wrdreg s19;
	v0 =	vsel vm4, $0x180, v0  }
0x1b: {  	vm6 =	vcmask $0x1714;
	s21 =	simm.s32 $0xDA00;
	[dreg:$0x1a] =	wrdreg s20;
	v0 =	vsel vm5, $0x200, v0  }
0x1c: {  	vm7 =	vcmask $0x1B18;
	s22 =	simm.s32 $0x6200;
	[dreg:$0x1b] =	wrdreg s21;
	v0 =	vsel vm6, $0x280, v0  }
0x1d: {  	vm8 =	vcmask $0x1F1C;
	s23 =	simm.s32 $0xE200;
	s6 =	srdreg.scid;
	[dreg:$0x1c] =	wrdreg s22;
	v0 =	vsel vm7, $0x300, v0  }
0x1e: {  	vm9 =	vcmask $0x2320;
	s9 =	stileid.u32;
	[dreg:$0x1d] =	wrdreg s23;
	s24 =	simm.s32 $0x6A00;
	v0 =	vsel vm8, $0x380, v0  }
0x1f: {  	vm10 =	vcmask $0x2724;
	s25 =	simm.s32 $0xEA00;
	s28 =	simm.s32 $0x7200;
	s29 =	simm.s32 $0xF200;
	v0 =	vsel vm9, $0x1000, v0  }
0x20: {  	vm11 =	vcmask $0x2B28;
	s10 =	simm.s32 $0x400;
	s30 =	simm.s32 $0x7A00;
	s11 =	simm.s32 $0x7A1400;
	v0 =	vsel vm10, $0x1080, v0  }
0x21: {  	vm12 =	vcmask $0x2F2C;
	s31 =	simm.s32 $0xFA00;
	s12 =	simm.s32 $0x200;
	[dreg:$0x1e] =	wrdreg s24;
	v0 =	vsel vm11, $0x1100, v0  }
0x22: {  	vm13 =	vcmask $0x3330;
	s13 =	simm.s32 $0x8200;
	s14 =	simm.s32 $0x1;
	[dreg:$0x1f] =	wrdreg s25;
	v0 =	vsel vm12, $0x1180, v0  }
0x23: {  	v1 =	vlaneseq.u32;
	vm14 =	vcmask $0x3734;
	s6 =	sand.u32 $0x1, s6;
	s18 =	sshll.u32 s9, $0xA;
	[smem:$0x7FA] =	sst s28;
	v2 =	vsel vm13, $0x1200, v0  }
0x24: {  	vm15 =	vcmask $0x3B38;
	[smem:$0x7FB] =	sst s29;
	s7 =	ssub.s32 $0x2, s6;
	s6 =	sshll.u32 s6, $0x9;
	v0 =	vmul.u32 $0x80, v1;
	v1 =	vsel vm14, $0x1280, v2  }
0x25: {  	[smem:$0x7FC] =	sst s30;
	s8 =	sshrl.u32 s7, $0x1;
	s6 =	sor.u32 s6, s18;
	v1 =	vsel vm15, $0x1300, v1  }
0x26: {  	[smem:$0x7FD] =	sst s31;
	s7 =	ssub.s32 s7, s8;
	s3 =	sadd.s32 s3, s6;
	v2 =	vor.u32 $0x800, v0;
	v3 =	vor.u32 $0x1000, v0;
	v4 =	vor.u32 $0x1800, v0  }
0x27: {  	s8 =	sshrl.u32 s6, $0x3;
	s0 =	sadd.s32 s0, s6;
	[smem:$0x7F7] =	sst s3;
	v5 =	vor.u32 $0x2000, v0;
	v6 =	vor.u32 $0x2800, v0;
	v7 =	vor.u32 $0x3000, v0  }
0x28: {  	s15 =	simm.s32 $0x10200;
	s4 =	sadd.s32 s4, s8;
	[smem:$0x7F8] =	sst s0;
	v8 =	vor.u32 $0x3800, v0;
	v9 =	vor.u32 $0x4000, v0;
	v10 =	vor.u32 $0x4800, v0  }
0x29: {  	s16 =	simm.s32 $0x12200;
	s26 =	smax.u32 s7, $0x1;
	[smem:$0x7F6] =	sst s4;
	v11 =	vor.u32 $0x5000, v0;
	v12 =	vor.u32 $0x5800, v0;
	v13 =	vor.u32 $0x6000, v0  }
0x2a: {  	s3 =	simm.s32 $0x0;
	[smem:$0x7F9] =	sst s26;
	s4 =	simm.s32 $0x2;
	v14 =	vor.u32 $0x6800, v0;
	v15 =	vor.u32 $0x7000, v0;
	v16 =	vor.u32 $0x7800, v0  }
.LBB2_1:
0x2b: {  	s31 =	sld [smem:$0x7F6];
	_ =	sdelay $0x1  }
0x2c: {  	[smem:$0x7F5] =	sst s3;
	s0 =	simm.s32 $0x0  }
0x2d: {  	[tilespmem:s0], [sflag:$0x2] =	stream.linear.gather [hbm4b:s31+s0], $0x200, $0x38;
	[tilespmem:$0x14200] =	vst v63  }
0x2e: {  	_ =	swait.ge [sflag:s4], $0x200  }
0x2f: {  	[sflag:s4] =	ssyncset.done $0x0  }
0x30: {  	s20 =	simm.s32 $0xF;
	s21 =	simm.s32 $0x0;
	[sflag:s4] =	ssyncadd.s32 $0xFFFFFE00  }
.LBB2_2:
0x31: {  	v17 =	vld [tilespmem:s21+$0x0];
	_ =	sdelay $0x4  }
0x32: {  	(v2sf) =	vpush v17, $0x0;
	_ =	sdelay $0x1  }
0x33: {  	(v2sf) =	vpush v17, $0x1;
	_ =	sdelay $0x5  }
0x34: {  	(v2sf) =	vpush v17, $0x2;
	_ =	sdelay $0x6  }
0x35: {  	s8 =	spop (v2sf);
	(v2sf) =	vpush v17, $0x3  }
0x36: {  	s0 =	sand.u32 $0xFFFFF80, s8  }
0x37: {  	s7 =	spop (v2sf);
	(v2sf) =	vpush v17, $0x4;
	s3 =	sadd.s32 s1, s0  }
0x38: {  	[tilespmem:s12], [sflag:$0x1] =	stream.strided.gather [hbm4b:s3+s10], $0x800, s11, s10, $0x38;
	[tilespmem:$0x14200] =	vst v63  }
0x39: {  	s0 =	sadd.s32 s2, s0;
	s9 =	sand.u32 $0xFFFFF80, s7  }
0x3a: {  	[tilespmem:s13], [sflag:$0x1] =	stream.strided.gather [hbm4b:s0+s10], $0x800, s11, s10, $0x38;
	[tilespmem:$0x14200] =	vst v63  }
0x3b: {  	s6 =	rddreg [dreg:$0x6];
	s4 =	sadd.s32 s1, s9  }
0x3c: {  	[tilespmem:s6], [sflag:$0x1] =	stream.strided.gather [hbm4b:s4+s10], $0x800, s11, s10, $0x38;
	[tilespmem:$0x14200] =	vst v63  }
0x3d: {  	s6 =	spop (v2sf);
	(v2sf) =	vpush v17, $0x5  }
0x3e: {  	s5 =	rddreg [dreg:$0x7];
	s17 =	sadd.s32 s2, s9;
	s19 =	sand.u32 $0xFFFFF80, s6  }
0x3f: {  	[tilespmem:s5], [sflag:$0x1] =	stream.strided.gather [hbm4b:s17+s10], $0x800, s11, s10, $0x38;
	[tilespmem:$0x14200] =	vst v63  }
0x40: {  	s18 =	rddreg [dreg:$0x8];
	s22 =	sadd.s32 s1, s19  }
0x41: {  	[tilespmem:s18], [sflag:$0x1] =	stream.strided.gather [hbm4b:s22+s10], $0x800, s11, s10, $0x38;
	[tilespmem:$0x14200] =	vst v63  }
0x42: {  	s23 =	rddreg [dreg:$0x9];
	s24 =	sadd.s32 s2, s19  }
0x43: {  	[tilespmem:s23], [sflag:$0x1] =	stream.strided.gather [hbm4b:s24+s10], $0x800, s11, s10, $0x38;
	[tilespmem:$0x14200] =	vst v63  }
0x44: {  	s5 =	spop (v2sf);
	(v2sf) =	vpush v17, $0x6  }
0x45: {  	s26 =	sand.u32 $0xFFFFF80, s5  }
0x46: {  	s25 =	rddreg [dreg:$0xa];
	s3 =	spop (v2sf);
	s28 =	sadd.s32 s1, s26  }
0x47: {  	[tilespmem:s25], [sflag:$0x1] =	stream.strided.gather [hbm4b:s28+s10], $0x800, s11, s10, $0x38;
	[tilespmem:$0x14200] =	vst v63  }
0x48: {  	s22 =	rddreg [dreg:$0xb];
	s29 =	sadd.s32 s2, s26;
	s31 =	sand.u32 $0xFFFFF80, s3  }
0x49: {  	[tilespmem:s22], [sflag:$0x1] =	stream.strided.gather [hbm4b:s29+s10], $0x800, s11, s10, $0x38;
	[tilespmem:$0x14200] =	vst v63  }
0x4a: {  	s30 =	rddreg [dreg:$0xc];
	(v2sf) =	vpush v17, $0x7;
	s9 =	sadd.s32 s1, s31  }
0x4b: {  	[tilespmem:s30], [sflag:$0x1] =	stream.strided.gather [hbm4b:s9+s10], $0x800, s11, s10, $0x38;
	[tilespmem:$0x14200] =	vst v63  }
0x4c: {  	s4 =	spop (v2sf);
	(v2sf) =	vpush v17, $0x8  }
0x4d: {  	s23 =	rddreg [dreg:$0xd];
	s17 =	sadd.s32 s2, s31;
	s19 =	sand.u32 $0xFFFFF80, s4  }
0x4e: {  	[tilespmem:s23], [sflag:$0x1] =	stream.strided.gather [hbm4b:s17+s10], $0x800, s11, s10, $0x38;
	[tilespmem:$0x14200] =	vst v63  }
0x4f: {  	s18 =	rddreg [dreg:$0xe];
	s25 =	sadd.s32 s1, s19  }
0x50: {  	[tilespmem:s18], [sflag:$0x1] =	stream.strided.gather [hbm4b:s25+s10], $0x800, s11, s10, $0x38;
	[tilespmem:$0x14200] =	vst v63  }
0x51: {  	s24 =	rddreg [dreg:$0xf];
	s26 =	sadd.s32 s2, s19  }
0x52: {  	[tilespmem:s24], [sflag:$0x1] =	stream.strided.gather [hbm4b:s26+s10], $0x800, s11, s10, $0x38;
	[tilespmem:$0x14200] =	vst v63  }
0x53: {  	s0 =	spop (v2sf)  }
0x54: {  	(v2sf) =	vpush v17, $0x9;
	s29 =	sand.u32 $0xFFFFF80, s0  }
0x55: {  	s28 =	rddreg [dreg:$0x10];
	s30 =	sadd.s32 s1, s29  }
0x56: {  	[tilespmem:s28], [sflag:$0x1] =	stream.strided.gather [hbm4b:s30+s10], $0x800, s11, s10, $0x38;
	[tilespmem:$0x14200] =	vst v63  }
0x57: {  	s25 =	rddreg [dreg:$0x11];
	s31 =	sadd.s32 s2, s29  }
0x58: {  	[tilespmem:s25], [sflag:$0x1] =	stream.strided.gather [hbm4b:s31+s10], $0x800, s11, s10, $0x38;
	[tilespmem:$0x14200] =	vst v63  }
0x59: {  	s31 =	spop (v2sf)  }
0x5a: {  	(v2sf) =	vpush v17, $0xA;
	s17 =	sand.u32 $0xFFFFF80, s31  }
0x5b: {  	s9 =	rddreg [dreg:$0x12];
	s18 =	sadd.s32 s1, s17;
	s30 =	spop (v2sf)  }
0x5c: {  	[tilespmem:s9], [sflag:$0x1] =	stream.strided.gather [hbm4b:s18+s10], $0x800, s11, s10, $0x38;
	[tilespmem:$0x14200] =	vst v63  }
0x5d: {  	s19 =	rddreg [dreg:$0x13];
	s24 =	sadd.s32 s2, s17;
	s28 =	sand.u32 $0xFFFFF80, s30  }
0x5e: {  	[tilespmem:s19], [sflag:$0x1] =	stream.strided.gather [hbm4b:s24+s10], $0x800, s11, s10, $0x38;
	[tilespmem:$0x14200] =	vst v63  }
0x5f: {  	s26 =	rddreg [dreg:$0x14];
	s29 =	sadd.s32 s1, s28  }
0x60: {  	(v2sf) =	vpush v17, $0xB;
	[tilespmem:s26], [sflag:$0x1] =	stream.strided.gather [hbm4b:s29+s10], $0x800, s11, s10, $0x38;
	[tilespmem:$0x14200] =	vst v63  }
0x61: {  	s9 =	rddreg [dreg:$0x15];
	s17 =	sadd.s32 s2, s28  }
0x62: {  	[tilespmem:s9], [sflag:$0x1] =	stream.strided.gather [hbm4b:s17+s10], $0x800, s11, s10, $0x38;
	[tilespmem:$0x14200] =	vst v63  }
0x63: {  	s29 =	spop (v2sf)  }
0x64: {  	s19 =	sand.u32 $0xFFFFF80, s29  }
0x65: {  	s18 =	rddreg [dreg:$0x16];
	s25 =	sadd.s32 s1, s19  }
0x66: {  	(v2sf) =	vpush v17, $0xC;
	[tilespmem:s18], [sflag:$0x1] =	stream.strided.gather [hbm4b:s25+s10], $0x800, s11, s10, $0x38;
	[tilespmem:$0x14200] =	vst v63  }
0x67: {  	s26 =	rddreg [dreg:$0x17];
	s28 =	sadd.s32 s2, s19  }
0x68: {  	[tilespmem:s26], [sflag:$0x1] =	stream.strided.gather [hbm4b:s28+s10], $0x800, s11, s10, $0x38;
	[tilespmem:$0x14200] =	vst v63  }
0x69: {  	s28 =	spop (v2sf)  }
0x6a: {  	s17 =	sand.u32 $0xFFFFF80, s28  }
0x6b: {  	s9 =	rddreg [dreg:$0x18];
	s18 =	sadd.s32 s1, s17  }
0x6c: {  	(v2sf) =	vpush v17, $0xD;
	[tilespmem:s9], [sflag:$0x1] =	stream.strided.gather [hbm4b:s18+s10], $0x800, s11, s10, $0x38;
	[tilespmem:$0x14200] =	vst v63  }
0x6d: {  	s19 =	rddreg [dreg:$0x19];
	s26 =	sadd.s32 s2, s17  }
0x6e: {  	[tilespmem:s19], [sflag:$0x1] =	stream.strided.gather [hbm4b:s26+s10], $0x800, s11, s10, $0x38;
	[tilespmem:$0x14200] =	vst v63  }
0x6f: {  	s26 =	spop (v2sf)  }
0x70: {  	s17 =	sand.u32 $0xFFFFF80, s26  }
0x71: {  	s9 =	rddreg [dreg:$0x1a];
	s18 =	sadd.s32 s1, s17  }
0x72: {  	(v2sf) =	vpush v17, $0xE;
	[tilespmem:s9], [sflag:$0x1] =	stream.strided.gather [hbm4b:s18+s10], $0x800, s11, s10, $0x38;
	[tilespmem:$0x14200] =	vst v63  }
0x73: {  	s19 =	rddreg [dreg:$0x1b];
	s23 =	sadd.s32 s2, s17  }
0x74: {  	[tilespmem:s19], [sflag:$0x1] =	stream.strided.gather [hbm4b:s23+s10], $0x800, s11, s10, $0x38;
	[tilespmem:$0x14200] =	vst v63  }
0x75: {  	s25 =	spop (v2sf)  }
0x76: {  	s9 =	sand.u32 $0xFFFFF80, s25  }
0x77: {  	s24 =	rddreg [dreg:$0x1c];
	s18 =	sadd.s32 s1, s9  }
0x78: {  	(v2sf) =	vpush v17, $0xF;
	[tilespmem:s24], [sflag:$0x1] =	stream.strided.gather [hbm4b:s18+s10], $0x800, s11, s10, $0x38;
	[tilespmem:$0x14200] =	vst v63  }
0x79: {  	s17 =	rddreg [dreg:$0x1d];
	s19 =	sadd.s32 s2, s9  }
0x7a: {  	[tilespmem:s17], [sflag:$0x1] =	stream.strided.gather [hbm4b:s19+s10], $0x800, s11, s10, $0x38;
	[tilespmem:$0x14200] =	vst v63  }
0x7b: {  	s24 =	spop (v2sf)  }
0x7c: {  	s19 =	sand.u32 $0xFFFFF80, s24  }
0x7d: {  	s23 =	rddreg [dreg:$0x1e];
	s9 =	sadd.s32 s1, s19  }
0x7e: {  	[tilespmem:s23], [sflag:$0x1] =	stream.strided.gather [hbm4b:s9+s10], $0x800, s11, s10, $0x38;
	[tilespmem:$0x14200] =	vst v63  }
0x7f: {  	s18 =	rddreg [dreg:$0x1f];
	s19 =	sadd.s32 s2, s19  }
0x80: {  	[tilespmem:s18], [sflag:$0x1] =	stream.strided.gather [hbm4b:s19+s10], $0x800, s11, s10, $0x38;
	[tilespmem:$0x14200] =	vst v63  }
0x81: {  	s22 =	sld [smem:$0x7FA];
	s23 =	spop (v2sf)  }
0x82: {  	s18 =	sand.u32 $0xFFFFF80, s23  }
0x83: {  	s9 =	sld [smem:$0x7FB];
	s19 =	sadd.s32 s1, s18  }
0x84: {  	[tilespmem:s22], [sflag:$0x1] =	stream.strided.gather [hbm4b:s19+s10], $0x800, s11, s10, $0x38;
	[tilespmem:$0x14200] =	vst v63  }
0x85: {  	s22 =	sadd.s32 s2, s18  }
0x86: {  	[tilespmem:s9], [sflag:$0x1] =	stream.strided.gather [hbm4b:s22+s10], $0x800, s11, s10, $0x38;
	[tilespmem:$0x14200] =	vst v63  }
0x87: {  	s22 =	spop (v2sf);
	s9 =	sld [smem:$0x7FC]  }
0x88: {  	s17 =	sand.u32 $0xFFFFF80, s22  }
0x89: {  	s19 =	sld [smem:$0x7FD];
	s18 =	sadd.s32 s1, s17  }
0x8a: {  	[tilespmem:s9], [sflag:$0x1] =	stream.strided.gather [hbm4b:s18+s10], $0x800, s11, s10, $0x38;
	[tilespmem:$0x14200] =	vst v63  }
0x8b: {  	s17 =	sadd.s32 s2, s17  }
0x8c: {  	[tilespmem:s19], [sflag:$0x1] =	stream.strided.gather [hbm4b:s17+s10], $0x800, s11, s10, $0x38;
	[tilespmem:$0x14200] =	vst v63  }
0x8d: {  	_ =	swait.ge [sflag:s14], $0x800  }
0x8e: {  	[sflag:s14] =	ssyncset.done $0x0  }
0x8f: {  	[sflag:s14] =	ssyncadd.s32 $0xFFFFF800  }
0x90: {  	_ =	swait.ge [sflag:s14], $0x800  }
0x91: {  	[sflag:s14] =	ssyncset.done $0x0  }
0x92: {  	[sflag:s14] =	ssyncadd.s32 $0xFFFFF800  }
0x93: {  	_ =	swait.ge [sflag:s14], $0x800  }
0x94: {  	[sflag:s14] =	ssyncset.done $0x0  }
0x95: {  	[sflag:s14] =	ssyncadd.s32 $0xFFFFF800  }
0x96: {  	_ =	swait.ge [sflag:s14], $0x800  }
0x97: {  	[sflag:s14] =	ssyncset.done $0x0  }
0x98: {  	[sflag:s14] =	ssyncadd.s32 $0xFFFFF800  }
0x99: {  	_ =	swait.ge [sflag:s14], $0x800  }
0x9a: {  	[sflag:s14] =	ssyncset.done $0x0  }
0x9b: {  	[sflag:s14] =	ssyncadd.s32 $0xFFFFF800  }
0x9c: {  	_ =	swait.ge [sflag:s14], $0x800  }
0x9d: {  	[sflag:s14] =	ssyncset.done $0x0  }
0x9e: {  	[sflag:s14] =	ssyncadd.s32 $0xFFFFF800  }
0x9f: {  	_ =	swait.ge [sflag:s14], $0x800  }
0xa0: {  	[sflag:s14] =	ssyncset.done $0x0  }
0xa1: {  	[sflag:s14] =	ssyncadd.s32 $0xFFFFF800  }
0xa2: {  	_ =	swait.ge [sflag:s14], $0x800  }
0xa3: {  	[sflag:s14] =	ssyncset.done $0x0  }
0xa4: {  	[sflag:s14] =	ssyncadd.s32 $0xFFFFF800  }
0xa5: {  	_ =	swait.ge [sflag:s14], $0x800  }
0xa6: {  	[sflag:s14] =	ssyncset.done $0x0  }
0xa7: {  	[sflag:s14] =	ssyncadd.s32 $0xFFFFF800  }
0xa8: {  	_ =	swait.ge [sflag:s14], $0x800  }
0xa9: {  	[sflag:s14] =	ssyncset.done $0x0  }
0xaa: {  	[sflag:s14] =	ssyncadd.s32 $0xFFFFF800  }
0xab: {  	_ =	swait.ge [sflag:s14], $0x800  }
0xac: {  	[sflag:s14] =	ssyncset.done $0x0  }
0xad: {  	[sflag:s14] =	ssyncadd.s32 $0xFFFFF800  }
0xae: {  	_ =	swait.ge [sflag:s14], $0x800  }
0xaf: {  	[sflag:s14] =	ssyncset.done $0x0  }
0xb0: {  	[sflag:s14] =	ssyncadd.s32 $0xFFFFF800  }
0xb1: {  	_ =	swait.ge [sflag:s14], $0x800  }
0xb2: {  	[sflag:s14] =	ssyncset.done $0x0  }
0xb3: {  	[sflag:s14] =	ssyncadd.s32 $0xFFFFF800  }
0xb4: {  	_ =	swait.ge [sflag:s14], $0x800  }
0xb5: {  	[sflag:s14] =	ssyncset.done $0x0  }
0xb6: {  	[sflag:s14] =	ssyncadd.s32 $0xFFFFF800  }
0xb7: {  	_ =	swait.ge [sflag:s14], $0x800  }
0xb8: {  	[sflag:s14] =	ssyncset.done $0x0  }
0xb9: {  	[sflag:s14] =	ssyncadd.s32 $0xFFFFF800  }
0xba: {  	_ =	swait.ge [sflag:s14], $0x800  }
0xbb: {  	[sflag:s14] =	ssyncset.done $0x0  }
0xbc: {  	[sflag:s14] =	ssyncadd.s32 $0xFFFFF800  }
0xbd: {  	_ =	swait.ge [sflag:s14], $0x800  }
0xbe: {  	[sflag:s14] =	ssyncset.done $0x0  }
0xbf: {  	[sflag:s14] =	ssyncadd.s32 $0xFFFFF800  }
0xc0: {  	_ =	swait.ge [sflag:s14], $0x800  }
0xc1: {  	[sflag:s14] =	ssyncset.done $0x0  }
0xc2: {  	[sflag:s14] =	ssyncadd.s32 $0xFFFFF800  }
0xc3: {  	_ =	swait.ge [sflag:s14], $0x800  }
0xc4: {  	[sflag:s14] =	ssyncset.done $0x0  }
0xc5: {  	[sflag:s14] =	ssyncadd.s32 $0xFFFFF800  }
0xc6: {  	_ =	swait.ge [sflag:s14], $0x800  }
0xc7: {  	[sflag:s14] =	ssyncset.done $0x0  }
0xc8: {  	[sflag:s14] =	ssyncadd.s32 $0xFFFFF800  }
0xc9: {  	_ =	swait.ge [sflag:s14], $0x800  }
0xca: {  	[sflag:s14] =	ssyncset.done $0x0  }
0xcb: {  	[sflag:s14] =	ssyncadd.s32 $0xFFFFF800  }
0xcc: {  	_ =	swait.ge [sflag:s14], $0x800  }
0xcd: {  	[sflag:s14] =	ssyncset.done $0x0  }
0xce: {  	[sflag:s14] =	ssyncadd.s32 $0xFFFFF800  }
0xcf: {  	_ =	swait.ge [sflag:s14], $0x800  }
0xd0: {  	[sflag:s14] =	ssyncset.done $0x0  }
0xd1: {  	[sflag:s14] =	ssyncadd.s32 $0xFFFFF800  }
0xd2: {  	_ =	swait.ge [sflag:s14], $0x800  }
0xd3: {  	[sflag:s14] =	ssyncset.done $0x0  }
0xd4: {  	[sflag:s14] =	ssyncadd.s32 $0xFFFFF800  }
0xd5: {  	_ =	swait.ge [sflag:s14], $0x800  }
0xd6: {  	[sflag:s14] =	ssyncset.done $0x0  }
0xd7: {  	[sflag:s14] =	ssyncadd.s32 $0xFFFFF800  }
0xd8: {  	_ =	swait.ge [sflag:s14], $0x800  }
0xd9: {  	[sflag:s14] =	ssyncset.done $0x0  }
0xda: {  	[sflag:s14] =	ssyncadd.s32 $0xFFFFF800  }
0xdb: {  	_ =	swait.ge [sflag:s14], $0x800  }
0xdc: {  	[sflag:s14] =	ssyncset.done $0x0  }
0xdd: {  	[sflag:s14] =	ssyncadd.s32 $0xFFFFF800  }
0xde: {  	_ =	swait.ge [sflag:s14], $0x800  }
0xdf: {  	[sflag:s14] =	ssyncset.done $0x0  }
0xe0: {  	[sflag:s14] =	ssyncadd.s32 $0xFFFFF800  }
0xe1: {  	_ =	swait.ge [sflag:s14], $0x800  }
0xe2: {  	[sflag:s14] =	ssyncset.done $0x0  }
0xe3: {  	[sflag:s14] =	ssyncadd.s32 $0xFFFFF800  }
0xe4: {  	_ =	swait.ge [sflag:s14], $0x800  }
0xe5: {  	[sflag:s14] =	ssyncset.done $0x0  }
0xe6: {  	[sflag:s14] =	ssyncadd.s32 $0xFFFFF800  }
0xe7: {  	s8 =	sand.u32 $0x7F, s8;
	_ =	swait.ge [sflag:s14], $0x800  }
0xe8: {  	v17 =	vor.u32 s8, v0;
	s18 =	sadd.s32 $0xFFFFFFF1, s20;
	[sflag:s14] =	ssyncset.done $0x0  }
0xe9: {  	v18 =	vmov s18;
	[sflag:s14] =	ssyncadd.s32 $0xFFFFF800  }
0xea: {  	v19 =	vshll.u32 v18, $0x3;
	_ =	swait.ge [sflag:s14], $0x800  }
0xeb: {  	v18 =	vand.u32 $0x70, v18;
	v19 =	vand.u32 $0xC00, v19;
	[sflag:s14] =	ssyncset.done $0x0  }
0xec: {  	v18 =	vor.u32 v19, v18;
	[sflag:s14] =	ssyncadd.s32 $0xFFFFF800  }
0xed: {  	v18 =	vor.u32 v1, v18;
	v19 =	vld.idx.msk [tilespmem:v17+s12+$0x0], $0xffff;
	_ =	sdelay $0x4  }
0xee: {  	[tilespmem:v18+s15+$0x0] =	vst.idx.msk $0xffff, v19  }
0xef: {  	s7 =	sand.u32 $0x7F, s7;
	v17 =	vld.idx.msk [tilespmem:v17+s13+$0x0], $0xffff  }
0xf0: {  	s19 =	sadd.s32 $0xFFFFFFF2, s20;
	v19 =	vor.u32 s7, v2  }
0xf1: {  	v20 =	vmov s19  }
0xf2: {  	v21 =	vshll.u32 v20, $0x3  }
0xf3: {  	v20 =	vand.u32 $0x71, v20;
	v21 =	vand.u32 $0xC00, v21  }
0xf4: {  	[tilespmem:v18+s16+$0x0] =	vst.idx.msk $0xffff, v17;
	v17 =	vor.u32 v21, v20  }
0xf5: {  	v18 =	vld.idx.msk [tilespmem:v19+s12+$0x0], $0xffff;
	v17 =	vor.u32 v1, v17;
	_ =	sdelay $0x4  }
0xf6: {  	[tilespmem:v17+s15+$0x0] =	vst.idx.msk $0xffff, v18  }
0xf7: {  	s6 =	sand.u32 $0x7F, s6;
	v18 =	vld.idx.msk [tilespmem:v19+s13+$0x0], $0xffff  }
0xf8: {  	s7 =	sadd.s32 $0xFFFFFFF3, s20;
	v19 =	vor.u32 s6, v3  }
0xf9: {  	v36 =	vmov s7  }
0xfa: {  	v37 =	vshll.u32 v36, $0x3  }
0xfb: {  	v20 =	vand.u32 $0x72, v36;
	v21 =	vand.u32 $0xC00, v37  }
0xfc: {  	[tilespmem:v17+s16+$0x0] =	vst.idx.msk $0xffff, v18;
	v17 =	vor.u32 v21, v20  }
0xfd: {  	v18 =	vld.idx.msk [tilespmem:v19+s12+$0x0], $0xffff;
	v17 =	vor.u32 v1, v17;
	_ =	sdelay $0x4  }
0xfe: {  	[tilespmem:v17+s15+$0x0] =	vst.idx.msk $0xffff, v18  }
0xff: {  	s5 =	sand.u32 $0x7F, s5;
	v18 =	vld.idx.msk [tilespmem:v19+s13+$0x0], $0xffff  }
0x100: {  	s8 =	sadd.s32 $0xFFFFFFF4, s20;
	v19 =	vor.u32 s5, v4  }
0x101: {  	v38 =	vmov s8  }
0x102: {  	v39 =	vshll.u32 v38, $0x3  }
0x103: {  	v20 =	vand.u32 $0x73, v38;
	v21 =	vand.u32 $0xC00, v39  }
0x104: {  	[tilespmem:v17+s16+$0x0] =	vst.idx.msk $0xffff, v18;
	v17 =	vor.u32 v21, v20  }
0x105: {  	v18 =	vld.idx.msk [tilespmem:v19+s12+$0x0], $0xffff;
	v17 =	vor.u32 v1, v17;
	_ =	sdelay $0x4  }
0x106: {  	[tilespmem:v17+s15+$0x0] =	vst.idx.msk $0xffff, v18  }
0x107: {  	s3 =	sand.u32 $0x7F, s3;
	v18 =	vld.idx.msk [tilespmem:v19+s13+$0x0], $0xffff  }
0x108: {  	s9 =	sadd.s32 $0xFFFFFFF5, s20;
	v19 =	vor.u32 s3, v5  }
0x109: {  	v40 =	vmov s9  }
0x10a: {  	v41 =	vshll.u32 v40, $0x3  }
0x10b: {  	v20 =	vand.u32 $0x74, v40;
	v21 =	vand.u32 $0xC00, v41  }
0x10c: {  	[tilespmem:v17+s16+$0x0] =	vst.idx.msk $0xffff, v18;
	v17 =	vor.u32 v21, v20  }
0x10d: {  	v18 =	vld.idx.msk [tilespmem:v19+s12+$0x0], $0xffff;
	v17 =	vor.u32 v1, v17;
	_ =	sdelay $0x4  }
0x10e: {  	[tilespmem:v17+s15+$0x0] =	vst.idx.msk $0xffff, v18  }
0x10f: {  	s17 =	sand.u32 $0x7F, s4;
	v18 =	vld.idx.msk [tilespmem:v19+s13+$0x0], $0xffff  }
0x110: {  	s18 =	sadd.s32 $0xFFFFFFF6, s20;
	v19 =	vor.u32 s17, v6  }
0x111: {  	v42 =	vmov s18  }
0x112: {  	v43 =	vshll.u32 v42, $0x3  }
0x113: {  	v20 =	vand.u32 $0x75, v42;
	v21 =	vand.u32 $0xC00, v43  }
0x114: {  	[tilespmem:v17+s16+$0x0] =	vst.idx.msk $0xffff, v18;
	v17 =	vor.u32 v21, v20  }
0x115: {  	v18 =	vld.idx.msk [tilespmem:v19+s12+$0x0], $0xffff;
	v17 =	vor.u32 v1, v17;
	_ =	sdelay $0x4  }
0x116: {  	[tilespmem:v17+s15+$0x0] =	vst.idx.msk $0xffff, v18  }
0x117: {  	s0 =	sand.u32 $0x7F, s0;
	v18 =	vld.idx.msk [tilespmem:v19+s13+$0x0], $0xffff  }
0x118: {  	s19 =	sadd.s32 $0xFFFFFFF7, s20;
	v19 =	vor.u32 s0, v7  }
0x119: {  	v44 =	vmov s19  }
0x11a: {  	v45 =	vshll.u32 v44, $0x3  }
0x11b: {  	v20 =	vand.u32 $0x76, v44;
	v21 =	vand.u32 $0xC00, v45  }
0x11c: {  	[tilespmem:v17+s16+$0x0] =	vst.idx.msk $0xffff, v18;
	v17 =	vor.u32 v21, v20  }
0x11d: {  	v18 =	vld.idx.msk [tilespmem:v19+s12+$0x0], $0xffff;
	v17 =	vor.u32 v1, v17;
	_ =	sdelay $0x4  }
0x11e: {  	[tilespmem:v17+s15+$0x0] =	vst.idx.msk $0xffff, v18  }
0x11f: {  	s31 =	sand.u32 $0x7F, s31;
	v18 =	vld.idx.msk [tilespmem:v19+s13+$0x0], $0xffff  }
0x120: {  	s3 =	sadd.s32 $0xFFFFFFF8, s20;
	v19 =	vor.u32 s31, v8  }
0x121: {  	v46 =	vmov s3  }
0x122: {  	v47 =	vshll.u32 v46, $0x3  }
0x123: {  	v20 =	vand.u32 $0x77, v46;
	v21 =	vand.u32 $0xC00, v47  }
0x124: {  	[tilespmem:v17+s16+$0x0] =	vst.idx.msk $0xffff, v18;
	v17 =	vor.u32 v21, v20  }
0x125: {  	v18 =	vld.idx.msk [tilespmem:v19+s12+$0x0], $0xffff;
	v17 =	vor.u32 v1, v17;
	_ =	sdelay $0x4  }
0x126: {  	[tilespmem:v17+s15+$0x0] =	vst.idx.msk $0xffff, v18  }
0x127: {  	s4 =	sand.u32 $0x7F, s30;
	v18 =	vld.idx.msk [tilespmem:v19+s13+$0x0], $0xffff  }
0x128: {  	s5 =	sadd.s32 $0xFFFFFFF9, s20;
	v19 =	vor.u32 s4, v9  }
0x129: {  	v48 =	vmov s5  }
0x12a: {  	v49 =	vshll.u32 v48, $0x3  }
0x12b: {  	v20 =	vand.u32 $0x78, v48;
	v21 =	vand.u32 $0xC00, v49  }
0x12c: {  	[tilespmem:v17+s16+$0x0] =	vst.idx.msk $0xffff, v18;
	v17 =	vor.u32 v21, v20  }
0x12d: {  	v18 =	vld.idx.msk [tilespmem:v19+s12+$0x0], $0xffff;
	v17 =	vor.u32 v1, v17;
	_ =	sdelay $0x4  }
0x12e: {  	[tilespmem:v17+s15+$0x0] =	vst.idx.msk $0xffff, v18  }
0x12f: {  	s6 =	sand.u32 $0x7F, s29;
	v18 =	vld.idx.msk [tilespmem:v19+s13+$0x0], $0xffff  }
0x130: {  	s7 =	sadd.s32 $0xFFFFFFFA, s20;
	v19 =	vor.u32 s6, v10  }
0x131: {  	v50 =	vmov s7  }
0x132: {  	v51 =	vshll.u32 v50, $0x3  }
0x133: {  	v20 =	vand.u32 $0x79, v50;
	v21 =	vand.u32 $0xC00, v51  }
0x134: {  	[tilespmem:v17+s16+$0x0] =	vst.idx.msk $0xffff, v18;
	v17 =	vor.u32 v21, v20  }
0x135: {  	v18 =	vld.idx.msk [tilespmem:v19+s12+$0x0], $0xffff;
	v17 =	vor.u32 v1, v17;
	_ =	sdelay $0x4  }
0x136: {  	[tilespmem:v17+s15+$0x0] =	vst.idx.msk $0xffff, v18  }
0x137: {  	s8 =	sand.u32 $0x7F, s28;
	v18 =	vld.idx.msk [tilespmem:v19+s13+$0x0], $0xffff  }
0x138: {  	s9 =	sadd.s32 $0xFFFFFFFB, s20;
	v19 =	vor.u32 s8, v11  }
0x139: {  	v52 =	vmov s9  }
0x13a: {  	v53 =	vshll.u32 v52, $0x3  }
0x13b: {  	v20 =	vand.u32 $0x7A, v52;
	v21 =	vand.u32 $0xC00, v53  }
0x13c: {  	[tilespmem:v17+s16+$0x0] =	vst.idx.msk $0xffff, v18;
	v17 =	vor.u32 v21, v20  }
0x13d: {  	v18 =	vld.idx.msk [tilespmem:v19+s12+$0x0], $0xffff;
	v17 =	vor.u32 v1, v17;
	_ =	sdelay $0x4  }
0x13e: {  	[tilespmem:v17+s15+$0x0] =	vst.idx.msk $0xffff, v18  }
0x13f: {  	s17 =	sand.u32 $0x7F, s26;
	v18 =	vld.idx.msk [tilespmem:v19+s13+$0x0], $0xffff  }
0x140: {  	s18 =	sadd.s32 $0xFFFFFFFC, s20;
	v19 =	vor.u32 s17, v12  }
0x141: {  	v54 =	vmov s18  }
0x142: {  	v55 =	vshll.u32 v54, $0x3  }
0x143: {  	v20 =	vand.u32 $0x7B, v54;
	v21 =	vand.u32 $0xC00, v55  }
0x144: {  	[tilespmem:v17+s16+$0x0] =	vst.idx.msk $0xffff, v18;
	v17 =	vor.u32 v21, v20  }
0x145: {  	v18 =	vld.idx.msk [tilespmem:v19+s12+$0x0], $0xffff;
	v17 =	vor.u32 v1, v17;
	_ =	sdelay $0x4  }
0x146: {  	[tilespmem:v17+s15+$0x0] =	vst.idx.msk $0xffff, v18  }
0x147: {  	s19 =	sand.u32 $0x7F, s25;
	v18 =	vld.idx.msk [tilespmem:v19+s13+$0x0], $0xffff  }
0x148: {  	s25 =	sadd.s32 $0xFFFFFFFD, s20;
	v19 =	vor.u32 s19, v13  }
0x149: {  	v56 =	vmov s25  }
0x14a: {  	v57 =	vshll.u32 v56, $0x3  }
0x14b: {  	v20 =	vand.u32 $0x7C, v56;
	v21 =	vand.u32 $0xC00, v57  }
0x14c: {  	[tilespmem:v17+s16+$0x0] =	vst.idx.msk $0xffff, v18;
	v17 =	vor.u32 v21, v20  }
0x14d: {  	v18 =	vld.idx.msk [tilespmem:v19+s12+$0x0], $0xffff;
	v17 =	vor.u32 v1, v17;
	_ =	sdelay $0x4  }
0x14e: {  	[tilespmem:v17+s15+$0x0] =	vst.idx.msk $0xffff, v18  }
0x14f: {  	s26 =	sand.u32 $0x7F, s24;
	v18 =	vld.idx.msk [tilespmem:v19+s13+$0x0], $0xffff  }
0x150: {  	s28 =	sadd.s32 $0xFFFFFFFE, s20;
	v19 =	vor.u32 s26, v14  }
0x151: {  	v58 =	vmov s28  }
0x152: {  	v59 =	vshll.u32 v58, $0x3  }
0x153: {  	v20 =	vand.u32 $0x7D, v58;
	v21 =	vand.u32 $0xC00, v59  }
0x154: {  	[tilespmem:v17+s16+$0x0] =	vst.idx.msk $0xffff, v18;
	v17 =	vor.u32 v21, v20  }
0x155: {  	v18 =	vld.idx.msk [tilespmem:v19+s12+$0x0], $0xffff;
	v17 =	vor.u32 v1, v17;
	_ =	sdelay $0x4  }
0x156: {  	[tilespmem:v17+s15+$0x0] =	vst.idx.msk $0xffff, v18  }
0x157: {  	s29 =	sand.u32 $0x7F, s23;
	v18 =	vld.idx.msk [tilespmem:v19+s13+$0x0], $0xffff  }
0x158: {  	s30 =	sadd.s32 $0xFFFFFFFF, s20;
	v19 =	vor.u32 s29, v15  }
0x159: {  	v60 =	vmov s30  }
0x15a: {  	v61 =	vshll.u32 v60, $0x3  }
0x15b: {  	v20 =	vand.u32 $0x7E, v60;
	v21 =	vand.u32 $0xC00, v61  }
0x15c: {  	[tilespmem:v17+s16+$0x0] =	vst.idx.msk $0xffff, v18;
	v17 =	vor.u32 v21, v20  }
0x15d: {  	v18 =	vld.idx.msk [tilespmem:v19+s12+$0x0], $0xffff;
	v17 =	vor.u32 v1, v17;
	_ =	sdelay $0x4  }
0x15e: {  	[tilespmem:v17+s15+$0x0] =	vst.idx.msk $0xffff, v18  }
0x15f: {  	s31 =	sand.u32 $0x7F, s22;
	v18 =	vld.idx.msk [tilespmem:v19+s13+$0x0], $0xffff  }
0x160: {  	v19 =	vor.u32 s31, v16  }
0x161: {  	v62 =	vmov s20  }
0x162: {  	v63 =	vshll.u32 v62, $0x3  }
0x163: {  	v20 =	vand.u32 $0x7F, v62;
	v21 =	vand.u32 $0xC00, v63  }
0x164: {  	[tilespmem:v17+s16+$0x0] =	vst.idx.msk $0xffff, v18;
	v17 =	vor.u32 v21, v20  }
0x165: {  	v18 =	vld.idx.msk [tilespmem:v19+s12+$0x0], $0xffff;
	v17 =	vor.u32 v1, v17;
	_ =	sdelay $0x4  }
0x166: {  	[tilespmem:v17+s15+$0x0] =	vst.idx.msk $0xffff, v18  }
0x167: {  	p0 =	sne.s32 s20, $0x1FF;
	v18 =	vld.idx.msk [tilespmem:v19+s13+$0x0], $0xffff  }
.Ltmp0:
0x168: {  	_ = 	snop;
	(pc) =	sbr.rel @p0 .LBB2_2-.Ltmp0, $2  }
0x169: {  	_ =	sdelay $0x2  }
0x16a: {  	s21 =	sadd.s32 $0x10, s21;
	s20 =	sadd.s32 $0x10, s20;
	[tilespmem:v17+s16+$0x0] =	vst.idx.msk $0xffff, v18  }
0x16b: {  	s0 =	sld [smem:$0x7F7];
	_ =	sdelay $0x1  }
0x16c: {  	s3 =	simm.s32 $0x1000;
	s5 =	simm.s32 $0x20000;
	s4 =	simm.s32 $0x2  }
0x16d: {  	[hbm4b:s0+s3] =	stream.strided.scatter [tilespmem:s15], [sflag:$0x2], $0x2000, s5, s3, $0x38;
	[tilespmem:$0x14200] =	vst v63  }
0x16e: {  	_ =	swait.ge [sflag:s4], $0x2000  }
0x16f: {  	s29 =	sld [smem:$0x7F8]  }
0x170: {  	[sflag:s4] =	ssyncset.done $0x0  }
0x171: {  	[sflag:s4] =	ssyncadd.s32 $0xFFFFE000  }
0x172: {  	[hbm4b:s29+s3] =	stream.strided.scatter [tilespmem:s16], [sflag:$0x2], $0x2000, s5, s3, $0x38;
	[tilespmem:$0x14200] =	vst v63  }
0x173: {  	_ =	swait.ge [sflag:s4], $0x2000  }
0x174: {  	s30 =	sld [smem:$0x7F5]  }
0x175: {  	s31 =	sld [smem:$0x7F9];
	_ =	sdelay $0x1  }
0x176: {  	s3 =	sadd.s32 $0x1, s30  }
0x177: {  	p0 =	sne.s32 s3, s31  }
.Ltmp1:
0x178: {  	_ = 	snop;
	(pc) =	sbr.rel @p0 .LBB2_1-.Ltmp1, $3  }
0x179: {  	_ =	sdelay $0x1  }
0x17a: {  	[sflag:s4] =	ssyncset.done $0x0  }
0x17b: {  	[sflag:s4] =	ssyncadd.s32 $0xFFFFE000  }
0x17c: {  	_ =	sfence.sel $0x180000  }
0x17d: {  	[bflag:$0x0] =	sbarrier.arrive $0xFFFF  }
0x17e: {  	_ =	strace $0x90000047  }
0x17f: {  	s0 =	stileid.u32;
	[bflag:$0x2] =	sbarrier.arrive $0xFFFF  }
0x180: {  	p0 =	sne.s32 s0, $0x0;
	s0 =	rddreg [dreg:$0x5]  }
0x181: {  	s0 =	sadd.s32 @!p0 $0x100000, s0  }
0x182: {  	[sflag:s0] =	ssyncadd.tile.s32 @!p0 $0x1;
	_ =	shalt  }
.Lfunc_end2:
_tile_overlayer_lowered:
.L_overlay_start_2:
0x183: {  	(tag) =	ssettag $0x2  }
0x184: {  	s0 =	rddreg [dreg:$0x0];
	s2 =	stileid.u32  }
0x185: {  	s1 =	rddreg [dreg:$0x1];
	p0 =	sne.s32 s2, $0x0  }
0x186: {  	s3 =	rddreg [dreg:$0x2];
	[bflag:$0x3] =	sbarrier.arrive $0xFFFF;
	s2 =	simm.s32 @!p0 $0x1C02  }
0x187: {  	[timem:s3], [sflag:s2] =	dma.local @!p0 [hbm:s0], s1  }
0x188: {  	s0 =	simm.s32 @!p0 $0x2  }
0x189: {  	_ =	swait.ge @!p0 [sflag:s0], s1  }
0x18a: {  	s1 =	ssub.s32 @!p0 $0x0, s1;
	[sflag:s0] =	ssyncset.done @!p0 $0x0  }
0x18b: {  	[sflag:s0] =	ssyncadd.s32 @!p0 s1  }
0x18c: {  	[bflag:$0x3] =	sbarrier.arrive $0xFFFF  }
0x18d: {  	_ =	shalt  }

</sc_bundles>
